<compile_context>
chip_gen: v7x
topology: tpu7x:2x2x1
jax: 0.10.2.dev20260603
libtpu: 0.0.44.dev20260713+nightly
codegen_flags: <defaults>
</compile_context>

<pallas_src>
import functools

import jax
import jax.numpy as jnp
from jax import lax
from jax.experimental import pallas as pl
from jax.experimental.pallas import tpu as pltpu
from jax.experimental.pallas import tpu_sc as plsc

N = 10000
E = 320000
D = 128
G = 64
H_MLP = 64

NPAD = 10112
CH = 128
NCH = 160
EP = 16 * NCH * CH
CPT = NCH // 2
R = 400
GRID = N // R

_mesh = plsc.VectorSubcoreMesh(core_axis_name="c", subcore_axis_name="s")



def _deg_body(dst_hbm, zero1_hbm, out_hbm, idx_v, deg_v):
    c = lax.axis_index("c")
    s = lax.axis_index("s")
    wid = s * 2 + c
    pltpu.sync_copy(dst_hbm.at[pl.ds(wid * (CPT * CH), CPT * CH)], idx_v)
    pltpu.sync_copy(zero1_hbm, deg_v)
    ones16 = jnp.ones((16,), jnp.float32)

    def body(i, carry):
        idx16 = idx_v[pl.ds(i * 16, 16)]
        plsc.addupdate_scatter(deg_v, [idx16], ones16)
        return carry

    lax.fori_loop(0, CPT * CH // 16, body, 0)
    pltpu.sync_copy(deg_v, out_hbm.at[wid])


_deg_kernel = pl.kernel(
    _deg_body,
    out_type=jax.ShapeDtypeStruct((32, NPAD), jnp.float32),
    mesh=_mesh,
    scratch_types=[
        pltpu.VMEM((CPT * CH,), jnp.int32),
        pltpu.VMEM((NPAD,), jnp.float32),
    ],
    compiler_params=pltpu.CompilerParams(needs_layout_passes=False),
)



def _agg_body(scaled_hbm, srcp_hbm, dstp_hbm, zero2_hbm, out_hbm,
              srcv, dstv, rows_v, acc_spmem, gsem):
    c = lax.axis_index("c")
    s = lax.axis_index("s")
    pltpu.sync_copy(srcp_hbm.at[s, pl.ds(c * CPT, CPT)], srcv)
    pltpu.sync_copy(dstp_hbm.at[s, pl.ds(c * CPT, CPT)], dstv)
    pltpu.sync_copy(zero2_hbm, acc_spmem.at[pl.ds(s * (NPAD // 16), NPAD // 16)])
    plsc.subcore_barrier()

    def body(j, carry):
        pltpu.async_copy(scaled_hbm.at[srcv.at[j]], rows_v, gsem).wait()
        pltpu.sync_copy(rows_v, acc_spmem.at[dstv.at[j]], add=True)
        return carry

    lax.fori_loop(0, CPT, body, 0)
    plsc.subcore_barrier()
    pltpu.sync_copy(acc_spmem.at[pl.ds(s * (NPAD // 16), NPAD // 16)],
                    out_hbm.at[c, pl.ds(s * (NPAD // 16), NPAD // 16)])


_agg_kernel = pl.kernel(
    _agg_body,
    out_type=jax.ShapeDtypeStruct((2, NPAD, D), jnp.float32),
    mesh=_mesh,
    scratch_types=[
        pltpu.VMEM((CPT, CH), jnp.int32),
        pltpu.VMEM((CPT, CH), jnp.int32),
        pltpu.VMEM((CH, D), jnp.float32),
        pltpu.VMEM_SHARED((NPAD, D), jnp.float32),
        pltpu.SemaphoreType.DMA,
    ],
    compiler_params=pltpu.CompilerParams(needs_layout_passes=False),
)



def _scale1_body(x_ref, w_ref, degp_ref, scaled_ref, dis_ref):
    h = jnp.dot(x_ref[...], w_ref[...], preferred_element_type=jnp.float32)
    degsum = jnp.sum(degp_ref[...], axis=1, keepdims=True)
    dis = lax.rsqrt(degsum + 1.0)
    scaled_ref[...] = h * dis
    dis_ref[...] = dis


def _layer2_body(a0_ref, a1_ref, s1_ref, dis_ref, b1_ref, w2_ref, scaled2_ref):
    pre = a0_ref[0] + a1_ref[0] + s1_ref[...]
    out1 = jnp.maximum(dis_ref[...] * pre + b1_ref[...], 0.0)
    h2 = jnp.dot(out1, w2_ref[...], preferred_element_type=jnp.float32)
    scaled2_ref[...] = h2 * dis_ref[...]


def _final_body(a0_ref, a1_ref, s2_ref, dis_ref, b2_ref, batch_ref,
                wm1_ref, bm1_ref, wm2_ref, bm2_ref, o_ref, psum_scr, cnt_scr):
    i = pl.program_id(0)

    @pl.when(i == 0)
    def _():
        psum_scr[...] = jnp.zeros((G, D), jnp.float32)
        cnt_scr[...] = jnp.zeros((G, 1), jnp.float32)

    pre = a0_ref[0] + a1_ref[0] + s2_ref[...]
    out2 = dis_ref[...] * pre + b2_ref[...]
    gid = lax.broadcasted_iota(jnp.int32, (R, G), 1)
    onehot = (gid == batch_ref[...]).astype(jnp.float32)
    dnums = (((0,), (0,)), ((), ()))
    psum_scr[...] += lax.dot_general(onehot, out2, dnums,
                                     preferred_element_type=jnp.float32)
    cnt_scr[...] += lax.dot_general(onehot, jnp.ones((R, 1), jnp.float32),
                                    dnums,
                                    preferred_element_type=jnp.float32)

    @pl.when(i == GRID - 1)
    def _():
        pooled = psum_scr[...] / jnp.maximum(cnt_scr[...], 1.0)
        m = jnp.maximum(
            jnp.dot(pooled, wm1_ref[...],
                    preferred_element_type=jnp.float32) + bm1_ref[...], 0.0)
        m = jnp.dot(m, wm2_ref[...],
                    preferred_element_type=jnp.float32) + bm2_ref[...]
        o_ref[...] = jax.nn.sigmoid(m)


def kernel(X, edge_index, batch, W1, b1, W2, b2, Wm1, bm1, Wm2, bm2):
    f32 = jnp.float32
    src = edge_index[0]
    dst = edge_index[1]
    pad = EP - E
    src_p = jnp.pad(src, (0, pad)).reshape(16, NCH, CH)
    dst_p = jnp.pad(dst, (0, pad), constant_values=N).reshape(16, NCH, CH)
    dst_flat = dst_p.reshape(EP)
    zero1 = jnp.zeros((NPAD,), f32)
    zero2 = jnp.zeros((NPAD // 16, D), f32)

    degp = _deg_kernel(dst_flat, zero1).T[:N]

    scaled1, dis = pl.pallas_call(
        _scale1_body,
        grid=(GRID,),
        in_specs=[
            pl.BlockSpec((R, D), lambda i: (i, 0)),
            pl.BlockSpec((D, D), lambda i: (0, 0)),
            pl.BlockSpec((R, 32), lambda i: (i, 0)),
        ],
        out_specs=[
            pl.BlockSpec((R, D), lambda i: (i, 0)),
            pl.BlockSpec((R, 1), lambda i: (i, 0)),
        ],
        out_shape=[
            jax.ShapeDtypeStruct((N, D), f32),
            jax.ShapeDtypeStruct((N, 1), f32),
        ],
    )(X, W1, degp)

    agg1 = _agg_kernel(scaled1, src_p, dst_p, zero2)[:, :N]

    scaled2 = pl.pallas_call(
        _layer2_body,
        grid=(GRID,),
        in_specs=[
            pl.BlockSpec((1, R, D), lambda i: (0, i, 0)),
            pl.BlockSpec((1, R, D), lambda i: (1, i, 0)),
            pl.BlockSpec((R, D), lambda i: (i, 0)),
            pl.BlockSpec((R, 1), lambda i: (i, 0)),
            pl.BlockSpec((1, D), lambda i: (0, 0)),
            pl.BlockSpec((D, D), lambda i: (0, 0)),
        ],
        out_specs=pl.BlockSpec((R, D), lambda i: (i, 0)),
        out_shape=jax.ShapeDtypeStruct((N, D), f32),
    )(agg1, agg1, scaled1, dis, b1.reshape(1, D), W2)

    agg2 = _agg_kernel(scaled2, src_p, dst_p, zero2)[:, :N]

    out = pl.pallas_call(
        _final_body,
        grid=(GRID,),
        in_specs=[
            pl.BlockSpec((1, R, D), lambda i: (0, i, 0)),
            pl.BlockSpec((1, R, D), lambda i: (1, i, 0)),
            pl.BlockSpec((R, D), lambda i: (i, 0)),
            pl.BlockSpec((R, 1), lambda i: (i, 0)),
            pl.BlockSpec((1, D), lambda i: (0, 0)),
            pl.BlockSpec((R, 1), lambda i: (i, 0)),
            pl.BlockSpec((D, H_MLP), lambda i: (0, 0)),
            pl.BlockSpec((1, H_MLP), lambda i: (0, 0)),
            pl.BlockSpec((H_MLP, 1), lambda i: (0, 0)),
            pl.BlockSpec((1, 1), lambda i: (0, 0)),
        ],
        out_specs=pl.BlockSpec((G, 1), lambda i: (0, 0)),
        out_shape=jax.ShapeDtypeStruct((G, 1), f32),
        scratch_shapes=[
            pltpu.VMEM((G, D), f32),
            pltpu.VMEM((G, 1), f32),
        ],
        compiler_params=pltpu.CompilerParams(
            dimension_semantics=("arbitrary",)),
    )(agg2, agg2, scaled2, dis, b2.reshape(1, D), batch.reshape(N, 1),
      Wm1, bm1.reshape(1, H_MLP), Wm2, bm2.reshape(1, 1))

    return out

# --- scband reference (transcript-rebuilt; emitter-appended) ---
"""Pipeline reference for scband-gcnmodel-2628519985884 (READ-ONLY COPY).

The authoritative reference and input builder live on the scoring server;
editing this copy changes nothing except your own understanding.
"""

import jax, jax.numpy as jnp
import numpy as np

N = 10000
E = 320000
D = 128
G = 64
H_MLP = 64
OUT = 1


def setup_inputs(seed: int = 0) -> dict:
    key = jax.random.key(seed)
    ks = jax.random.split(key, 12)
    X = jax.random.normal(ks[0], (N, D), dtype=jnp.float32)
    edge_index = jax.random.randint(ks[1], (2, E), 0, N, dtype=jnp.int32)
    batch = jnp.sort(jax.random.randint(ks[2], (N,), 0, G, dtype=jnp.int32))
    W1 = jax.random.normal(ks[3], (D, D), dtype=jnp.float32) * 0.05
    b1 = jnp.zeros((D,), dtype=jnp.float32)
    W2 = jax.random.normal(ks[4], (D, D), dtype=jnp.float32) * 0.05
    b2 = jnp.zeros((D,), dtype=jnp.float32)
    Wm1 = jax.random.normal(ks[5], (D, H_MLP), dtype=jnp.float32) * 0.05
    bm1 = jnp.zeros((H_MLP,), dtype=jnp.float32)
    Wm2 = jax.random.normal(ks[6], (H_MLP, OUT), dtype=jnp.float32) * 0.05
    bm2 = jnp.zeros((OUT,), dtype=jnp.float32)
    return {"X": X, "edge_index": edge_index, "batch": batch,
            "W1": W1, "b1": b1, "W2": W2, "b2": b2,
            "Wm1": Wm1, "bm1": bm1, "Wm2": Wm2, "bm2": bm2}


def _gcn_conv(x, src, dst, W, b):
    # PyG-style GCNConv: add self-loops, symmetric normalization D^-1/2 (A+I) D^-1/2 X W + b
    n = x.shape[0]
    loop = jnp.arange(n, dtype=src.dtype)
    s = jnp.concatenate([src, loop])
    d = jnp.concatenate([dst, loop])
    deg = jnp.zeros((n,), x.dtype).at[d].add(1.0)
    dis = jnp.where(deg > 0, 1.0 / jnp.sqrt(deg), 0.0)
    norm = dis[s] * dis[d]
    h = x @ W
    msg = h[s] * norm[:, None]
    out = jnp.zeros((n, W.shape[1]), x.dtype).at[d].add(msg)
    return out + b


def reference(X, edge_index, batch, W1, b1, W2, b2, Wm1, bm1, Wm2, bm2):
    src, dst = edge_index[0], edge_index[1]
    # GCN layer 1 + ReLU
    h = _gcn_conv(X, src, dst, W1, b1)
    h = jax.nn.relu(h)
    # GCN layer 2 (last layer, no ReLU)
    h = _gcn_conv(h, src, dst, W2, b2)
    # global_mean_pool over graph ids
    sums = jax.ops.segment_sum(h, batch, num_segments=G)
    counts = jax.ops.segment_sum(jnp.ones((h.shape[0],), h.dtype), batch, num_segments=G)
    pooled = sums / jnp.maximum(counts, 1.0)[:, None]
    # dropout(p=0.3) in eval mode -> identity
    # MLP: Linear -> ReLU -> Linear -> sigmoid
    m = jax.nn.relu(pooled @ Wm1 + bm1)
    m = m @ Wm2 + bm2
    return jax.nn.sigmoid(m)

if __name__ == "__main__":
    import jax
    _d = setup_inputs()
    print(jax.jit(kernel)(*tuple(_d.values())))

</pallas_src>

<mosaic_0001>
#map = affine_map<(d0, d1) -> (0)>
#map1 = affine_map<(d0, d1) -> (0, 0)>
module attributes {stable_mosaic.version = 14 : i64} {
  func.func @_deg_body(%arg0: i32, %arg1: i32, %arg2: memref<327680xi32, #tpu.memory_space<hbm>>, %arg3: memref<10112xf32, #tpu.memory_space<hbm>>, %arg4: memref<32x10112xf32, #tpu.memory_space<hbm>>, %arg5: memref<10240xi32, #tpu.memory_space<vmem>>, %arg6: memref<10112xf32, #tpu.memory_space<vmem>>) attributes {dimension_semantics = [#tpu.dimension_semantics<core_parallel>, #tpu.dimension_semantics<subcore_parallel>], iteration_bounds = array<i64: 2, 16>, scalar_prefetch = 0 : i64, scratch_operands = 2 : i64, tpu.core_type = #tpu.core_type<sc_vector_subcore>, window_params = [{transform_indices = #map}, {transform_indices = #map}, {transform_indices = #map1}]} {
    %mul3A = arith.constant 2 : i32
    %mul3A_0 = arith.muli %arg1, %mul3A : i32
    %add3A = arith.addi %mul3A_0, %arg0 : i32
    %mul3A_1 = arith.constant 10240 : i32
    %mul3A_2 = arith.muli %add3A, %mul3A_1 : i32
    "tpu.region"() ({
      %run_scoped3A = tpu.sem_alloc : memref<!tpu.dma_semaphore, #tpu.memory_space<semaphore_mem>>
      %dma_start3A = tpu.memref_slice %arg2[%mul3A_2] : memref<327680xi32, #tpu.memory_space<hbm>> -> memref<10240xi32, #tpu.memory_space<hbm>>
      %dma_start3A_9 = tpu.memref_slice %arg2[%mul3A_2] : memref<327680xi32, #tpu.memory_space<hbm>> -> memref<10240xi32, #tpu.memory_space<hbm>>
      tpu.enqueue_dma source(%dma_start3A_9 : memref<10240xi32, #tpu.memory_space<hbm>>) target(%arg5 : memref<10240xi32, #tpu.memory_space<vmem>>) target_semaphore(%run_scoped3A : memref<!tpu.dma_semaphore, #tpu.memory_space<semaphore_mem>>)
      %dma_wait3A = tpu.memref_slice %arg2[%mul3A_2] : memref<327680xi32, #tpu.memory_space<hbm>> -> memref<10240xi32, #tpu.memory_space<hbm>>
      %dma_wait3A_10 = tpu.memref_slice %arg2[%mul3A_2] : memref<327680xi32, #tpu.memory_space<hbm>> -> memref<10240xi32, #tpu.memory_space<hbm>>
      tpu.wait_dma2 semaphore(%run_scoped3A : memref<!tpu.dma_semaphore, #tpu.memory_space<semaphore_mem>>) src(%dma_wait3A_10 : memref<10240xi32, #tpu.memory_space<hbm>>) dst(%arg5 : memref<10240xi32, #tpu.memory_space<vmem>>)
      tpu.yield
    }) : () -> ()
    "tpu.region"() ({
      %run_scoped3A = tpu.sem_alloc : memref<!tpu.dma_semaphore, #tpu.memory_space<semaphore_mem>>
      tpu.enqueue_dma source(%arg3 : memref<10112xf32, #tpu.memory_space<hbm>>) target(%arg6 : memref<10112xf32, #tpu.memory_space<vmem>>) target_semaphore(%run_scoped3A : memref<!tpu.dma_semaphore, #tpu.memory_space<semaphore_mem>>)
      tpu.wait_dma2 semaphore(%run_scoped3A : memref<!tpu.dma_semaphore, #tpu.memory_space<semaphore_mem>>) src(%arg3 : memref<10112xf32, #tpu.memory_space<hbm>>) dst(%arg6 : memref<10112xf32, #tpu.memory_space<vmem>>)
      tpu.yield
    }) : () -> ()
    %broadcast_in_dim3A = arith.constant 1.000000e+00 : f32
    %broadcast_in_dim3A_3 = vector.broadcast %broadcast_in_dim3A : f32 to vector<16xf32>
    %scan3A = arith.constant 0 : i32
    %scan3A_4 = arith.constant 0 : i32
    %scan3A_5 = arith.constant 640 : i32
    %scan3A_6 = arith.addi %scan3A_4, %scan3A_5 : i32
    %scan3A_7 = arith.constant 1 : i32
    scf.for %scan3A_9 = %scan3A_4 to %scan3A_6 step %scan3A_7  : i32 {
      %mul3A_10 = arith.constant 16 : i32
      %mul3A_11 = arith.muli %scan3A_9, %mul3A_10 : i32
      %get3A = arith.index_cast %mul3A_11 : i32 to index
      %get3A_12 = tpu.vector_load %arg5[%get3A] {strides = array<i32>} : memref<10240xi32, #tpu.memory_space<vmem>>, vector<16xi32>,
      tpu.vector_store_idx %arg6[%get3A_12], %broadcast_in_dim3A_3 {add = true} : memref<10112xf32, #tpu.memory_space<vmem>>[vector<16xi32>], vector<16xf32>,
    }
    %scan3A_8 = arith.constant 640 : i32
    "tpu.region"() ({
      %run_scoped3A = tpu.sem_alloc : memref<!tpu.dma_semaphore, #tpu.memory_space<semaphore_mem>>
      %dma_start3A = arith.constant 0 : i32
      %dma_start3A_9 = tpu.memref_slice %arg4[%add3A, %dma_start3A] : memref<32x10112xf32, #tpu.memory_space<hbm>> -> memref<1x10112xf32, #tpu.memory_space<hbm>>
      %dma_start3A_10 = tpu.memref_squeeze %dma_start3A_9 : memref<1x10112xf32, #tpu.memory_space<hbm>> -> memref<10112xf32, #tpu.memory_space<hbm>>
      %dma_start3A_11 = arith.constant 0 : i32
      %dma_start3A_12 = tpu.memref_slice %arg4[%add3A, %dma_start3A_11] : memref<32x10112xf32, #tpu.memory_space<hbm>> -> memref<1x10112xf32, #tpu.memory_space<hbm>>
      %dma_start3A_13 = tpu.memref_squeeze %dma_start3A_12 : memref<1x10112xf32, #tpu.memory_space<hbm>> -> memref<10112xf32, #tpu.memory_space<hbm>>
      tpu.enqueue_dma source(%arg6 : memref<10112xf32, #tpu.memory_space<vmem>>) target(%dma_start3A_13 : memref<10112xf32, #tpu.memory_space<hbm>>) target_semaphore(%run_scoped3A : memref<!tpu.dma_semaphore, #tpu.memory_space<semaphore_mem>>)
      %dma_wait3A = arith.constant 0 : i32
      %dma_wait3A_14 = tpu.memref_slice %arg4[%add3A, %dma_wait3A] : memref<32x10112xf32, #tpu.memory_space<hbm>> -> memref<1x10112xf32, #tpu.memory_space<hbm>>
      %dma_wait3A_15 = tpu.memref_squeeze %dma_wait3A_14 : memref<1x10112xf32, #tpu.memory_space<hbm>> -> memref<10112xf32, #tpu.memory_space<hbm>>
      %dma_wait3A_16 = arith.constant 0 : i32
      %dma_wait3A_17 = tpu.memref_slice %arg4[%add3A, %dma_wait3A_16] : memref<32x10112xf32, #tpu.memory_space<hbm>> -> memref<1x10112xf32, #tpu.memory_space<hbm>>
      %dma_wait3A_18 = tpu.memref_squeeze %dma_wait3A_17 : memref<1x10112xf32, #tpu.memory_space<hbm>> -> memref<10112xf32, #tpu.memory_space<hbm>>
      tpu.wait_dma2 semaphore(%run_scoped3A : memref<!tpu.dma_semaphore, #tpu.memory_space<semaphore_mem>>) src(%arg6 : memref<10112xf32, #tpu.memory_space<vmem>>) dst(%dma_wait3A_18 : memref<10112xf32, #tpu.memory_space<hbm>>)
      tpu.yield
    }) : () -> ()
    return
  }
}

#map = affine_map<(d0, d1) -> (0, 0)>
#map1 = affine_map<(d0, d1) -> (0, 0, 0)>
module attributes {stable_mosaic.version = 14 : i64} {
  func.func @_agg_body(%arg0: i32, %arg1: i32, %arg2: memref<10000x128xf32, #tpu.memory_space<hbm>>, %arg3: memref<16x160x128xi32, #tpu.memory_space<hbm>>, %arg4: memref<16x160x128xi32, #tpu.memory_space<hbm>>, %arg5: memref<632x128xf32, #tpu.memory_space<hbm>>, %arg6: memref<2x10112x128xf32, #tpu.memory_space<hbm>>, %arg7: memref<80x128xi32, #tpu.memory_space<vmem>>, %arg8: memref<80x128xi32, #tpu.memory_space<vmem>>, %arg9: memref<128x128xf32, #tpu.memory_space<vmem>>, %arg10: memref<10112x128xf32, #tpu.memory_space<vmem_shared>>, %arg11: memref<!tpu.dma_semaphore, #tpu.memory_space<semaphore_mem>>) attributes {dimension_semantics = [#tpu.dimension_semantics<core_parallel>, #tpu.dimension_semantics<subcore_parallel>], iteration_bounds = array<i64: 2, 16>, scalar_prefetch = 0 : i64, scratch_operands = 5 : i64, tpu.core_type = #tpu.core_type<sc_vector_subcore>, window_params = [{transform_indices = #map}, {transform_indices = #map1}, {transform_indices = #map1}, {transform_indices = #map}, {transform_indices = #map1}]} {
    %mul3A = arith.constant 80 : i32
    %mul3A_0 = arith.muli %arg0, %mul3A : i32
    "tpu.region"() ({
      %run_scoped3A = tpu.sem_alloc : memref<!tpu.dma_semaphore, #tpu.memory_space<semaphore_mem>>
      %dma_start3A = arith.constant 0 : i32
      %dma_start3A_15 = tpu.memref_slice %arg3[%arg1, %mul3A_0, %dma_start3A] : memref<16x160x128xi32, #tpu.memory_space<hbm>> -> memref<1x80x128xi32, #tpu.memory_space<hbm>>
      %dma_start3A_16 = tpu.memref_squeeze %dma_start3A_15 : memref<1x80x128xi32, #tpu.memory_space<hbm>> -> memref<80x128xi32, #tpu.memory_space<hbm>>
      %dma_start3A_17 = arith.constant 0 : i32
      %dma_start3A_18 = tpu.memref_slice %arg3[%arg1, %mul3A_0, %dma_start3A_17] : memref<16x160x128xi32, #tpu.memory_space<hbm>> -> memref<1x80x128xi32, #tpu.memory_space<hbm>>
      %dma_start3A_19 = tpu.memref_squeeze %dma_start3A_18 : memref<1x80x128xi32, #tpu.memory_space<hbm>> -> memref<80x128xi32, #tpu.memory_space<hbm>>
      tpu.enqueue_dma source(%dma_start3A_19 : memref<80x128xi32, #tpu.memory_space<hbm>>) target(%arg7 : memref<80x128xi32, #tpu.memory_space<vmem>>) target_semaphore(%run_scoped3A : memref<!tpu.dma_semaphore, #tpu.memory_space<semaphore_mem>>)
      %dma_wait3A = arith.constant 0 : i32
      %dma_wait3A_20 = tpu.memref_slice %arg3[%arg1, %mul3A_0, %dma_wait3A] : memref<16x160x128xi32, #tpu.memory_space<hbm>> -> memref<1x80x128xi32, #tpu.memory_space<hbm>>
      %dma_wait3A_21 = tpu.memref_squeeze %dma_wait3A_20 : memref<1x80x128xi32, #tpu.memory_space<hbm>> -> memref<80x128xi32, #tpu.memory_space<hbm>>
      %dma_wait3A_22 = arith.constant 0 : i32
      %dma_wait3A_23 = tpu.memref_slice %arg3[%arg1, %mul3A_0, %dma_wait3A_22] : memref<16x160x128xi32, #tpu.memory_space<hbm>> -> memref<1x80x128xi32, #tpu.memory_space<hbm>>
      %dma_wait3A_24 = tpu.memref_squeeze %dma_wait3A_23 : memref<1x80x128xi32, #tpu.memory_space<hbm>> -> memref<80x128xi32, #tpu.memory_space<hbm>>
      tpu.wait_dma2 semaphore(%run_scoped3A : memref<!tpu.dma_semaphore, #tpu.memory_space<semaphore_mem>>) src(%dma_wait3A_24 : memref<80x128xi32, #tpu.memory_space<hbm>>) dst(%arg7 : memref<80x128xi32, #tpu.memory_space<vmem>>)
      tpu.yield
    }) : () -> ()
    %mul3A_1 = arith.constant 80 : i32
    %mul3A_2 = arith.muli %arg0, %mul3A_1 : i32
    "tpu.region"() ({
      %run_scoped3A = tpu.sem_alloc : memref<!tpu.dma_semaphore, #tpu.memory_space<semaphore_mem>>
      %dma_start3A = arith.constant 0 : i32
      %dma_start3A_15 = tpu.memref_slice %arg4[%arg1, %mul3A_2, %dma_start3A] : memref<16x160x128xi32, #tpu.memory_space<hbm>> -> memref<1x80x128xi32, #tpu.memory_space<hbm>>
      %dma_start3A_16 = tpu.memref_squeeze %dma_start3A_15 : memref<1x80x128xi32, #tpu.memory_space<hbm>> -> memref<80x128xi32, #tpu.memory_space<hbm>>
      %dma_start3A_17 = arith.constant 0 : i32
      %dma_start3A_18 = tpu.memref_slice %arg4[%arg1, %mul3A_2, %dma_start3A_17] : memref<16x160x128xi32, #tpu.memory_space<hbm>> -> memref<1x80x128xi32, #tpu.memory_space<hbm>>
      %dma_start3A_19 = tpu.memref_squeeze %dma_start3A_18 : memref<1x80x128xi32, #tpu.memory_space<hbm>> -> memref<80x128xi32, #tpu.memory_space<hbm>>
      tpu.enqueue_dma source(%dma_start3A_19 : memref<80x128xi32, #tpu.memory_space<hbm>>) target(%arg8 : memref<80x128xi32, #tpu.memory_space<vmem>>) target_semaphore(%run_scoped3A : memref<!tpu.dma_semaphore, #tpu.memory_space<semaphore_mem>>)
      %dma_wait3A = arith.constant 0 : i32
      %dma_wait3A_20 = tpu.memref_slice %arg4[%arg1, %mul3A_2, %dma_wait3A] : memref<16x160x128xi32, #tpu.memory_space<hbm>> -> memref<1x80x128xi32, #tpu.memory_space<hbm>>
      %dma_wait3A_21 = tpu.memref_squeeze %dma_wait3A_20 : memref<1x80x128xi32, #tpu.memory_space<hbm>> -> memref<80x128xi32, #tpu.memory_space<hbm>>
      %dma_wait3A_22 = arith.constant 0 : i32
      %dma_wait3A_23 = tpu.memref_slice %arg4[%arg1, %mul3A_2, %dma_wait3A_22] : memref<16x160x128xi32, #tpu.memory_space<hbm>> -> memref<1x80x128xi32, #tpu.memory_space<hbm>>
      %dma_wait3A_24 = tpu.memref_squeeze %dma_wait3A_23 : memref<1x80x128xi32, #tpu.memory_space<hbm>> -> memref<80x128xi32, #tpu.memory_space<hbm>>
      tpu.wait_dma2 semaphore(%run_scoped3A : memref<!tpu.dma_semaphore, #tpu.memory_space<semaphore_mem>>) src(%dma_wait3A_24 : memref<80x128xi32, #tpu.memory_space<hbm>>) dst(%arg8 : memref<80x128xi32, #tpu.memory_space<vmem>>)
      tpu.yield
    }) : () -> ()
    %mul3A_3 = arith.constant 632 : i32
    %mul3A_4 = arith.muli %arg1, %mul3A_3 : i32
    "tpu.region"() ({
      %run_scoped3A = tpu.sem_alloc : memref<!tpu.dma_semaphore, #tpu.memory_space<semaphore_mem>>
      %dma_start3A = arith.constant 0 : i32
      %dma_start3A_15 = tpu.memref_slice %arg10[%mul3A_4, %dma_start3A] : memref<10112x128xf32, #tpu.memory_space<vmem_shared>> -> memref<632x128xf32, #tpu.memory_space<vmem_shared>>
      tpu.enqueue_dma source(%arg5 : memref<632x128xf32, #tpu.memory_space<hbm>>) target(%dma_start3A_15 : memref<632x128xf32, #tpu.memory_space<vmem_shared>>) target_semaphore(%run_scoped3A : memref<!tpu.dma_semaphore, #tpu.memory_space<semaphore_mem>>)
      %dma_wait3A = arith.constant 0 : i32
      %dma_wait3A_16 = tpu.memref_slice %arg10[%mul3A_4, %dma_wait3A] : memref<10112x128xf32, #tpu.memory_space<vmem_shared>> -> memref<632x128xf32, #tpu.memory_space<vmem_shared>>
      tpu.wait_dma2 semaphore(%run_scoped3A : memref<!tpu.dma_semaphore, #tpu.memory_space<semaphore_mem>>) src(%arg5 : memref<632x128xf32, #tpu.memory_space<hbm>>) dst(%dma_wait3A_16 : memref<632x128xf32, #tpu.memory_space<vmem_shared>>)
      tpu.yield
    }) : () -> ()
    %barrier3A = arith.constant 0 : index
    tpu.barrier barrier_id(%barrier3A)
    %scan3A = arith.constant 0 : i32
    %scan3A_5 = arith.constant 0 : i32
    %scan3A_6 = arith.constant 80 : i32
    %scan3A_7 = arith.addi %scan3A_5, %scan3A_6 : i32
    %scan3A_8 = arith.constant 1 : i32
    scf.for %scan3A_15 = %scan3A_5 to %scan3A_7 step %scan3A_8  : i32 {
      %dma_start3A = arith.constant 0 : i32
      %dma_start3A_16 = tpu.memref_slice %arg7[%scan3A_15, %dma_start3A] : memref<80x128xi32, #tpu.memory_space<vmem>> -> memref<1x128xi32, #tpu.memory_space<vmem>>
      %dma_start3A_17 = tpu.memref_squeeze %dma_start3A_16 : memref<1x128xi32, #tpu.memory_space<vmem>> -> memref<128xi32, #tpu.memory_space<vmem>>
      %dma_start3A_18 = arith.constant 0 : i32
      %dma_start3A_19 = arith.constant 0 : i32
      %dma_start3A_20 = tpu.memref_slice %arg2[%dma_start3A_18, %dma_start3A_19] : memref<10000x128xf32, #tpu.memory_space<hbm>> -> memref<10000x128xf32, #tpu.memory_space<hbm>>
      tpu.enqueue_indirect_dma source(%dma_start3A_20 : memref<10000x128xf32, #tpu.memory_space<hbm>>) target(%arg9 : memref<128x128xf32, #tpu.memory_space<vmem>>) offsets(%dma_start3A_17 : memref<128xi32, #tpu.memory_space<vmem>>) semaphore(%arg11 : memref<!tpu.dma_semaphore, #tpu.memory_space<semaphore_mem>>)
      %dma_wait3A = arith.constant 0 : i32
      %dma_wait3A_21 = tpu.memref_slice %arg7[%scan3A_15, %dma_wait3A] : memref<80x128xi32, #tpu.memory_space<vmem>> -> memref<1x128xi32, #tpu.memory_space<vmem>>
      %dma_wait3A_22 = tpu.memref_squeeze %dma_wait3A_21 : memref<1x128xi32, #tpu.memory_space<vmem>> -> memref<128xi32, #tpu.memory_space<vmem>>
      %dma_wait3A_23 = arith.constant 0 : i32
      %dma_wait3A_24 = arith.constant 0 : i32
      %dma_wait3A_25 = tpu.memref_slice %arg2[%dma_wait3A_23, %dma_wait3A_24] : memref<10000x128xf32, #tpu.memory_space<hbm>> -> memref<10000x128xf32, #tpu.memory_space<hbm>>
      tpu.wait_indirect_dma semaphore(%arg11 : memref<!tpu.dma_semaphore, #tpu.memory_space<semaphore_mem>>) src(%dma_wait3A_25 : memref<10000x128xf32, #tpu.memory_space<hbm>>) dst(%arg9 : memref<128x128xf32, #tpu.memory_space<vmem>>)
      "tpu.region"() ({
        %run_scoped3A = tpu.sem_alloc : memref<!tpu.dma_semaphore, #tpu.memory_space<semaphore_mem>>
        %dma_start3A_26 = arith.constant 0 : i32
        %dma_start3A_27 = tpu.memref_slice %arg8[%scan3A_15, %dma_start3A_26] : memref<80x128xi32, #tpu.memory_space<vmem>> -> memref<1x128xi32, #tpu.memory_space<vmem>>
        %dma_start3A_28 = tpu.memref_squeeze %dma_start3A_27 : memref<1x128xi32, #tpu.memory_space<vmem>> -> memref<128xi32, #tpu.memory_space<vmem>>
        %dma_start3A_29 = arith.constant 0 : i32
        %dma_start3A_30 = arith.constant 0 : i32
        %dma_start3A_31 = tpu.memref_slice %arg10[%dma_start3A_29, %dma_start3A_30] : memref<10112x128xf32, #tpu.memory_space<vmem_shared>> -> memref<10112x128xf32, #tpu.memory_space<vmem_shared>>
        tpu.enqueue_indirect_dma source(%arg9 : memref<128x128xf32, #tpu.memory_space<vmem>>) target(%dma_start3A_31 : memref<10112x128xf32, #tpu.memory_space<vmem_shared>>) offsets(%dma_start3A_28 : memref<128xi32, #tpu.memory_space<vmem>>) semaphore(%run_scoped3A : memref<!tpu.dma_semaphore, #tpu.memory_space<semaphore_mem>>) {add = true}
        %dma_wait3A_32 = arith.constant 0 : i32
        %dma_wait3A_33 = tpu.memref_slice %arg8[%scan3A_15, %dma_wait3A_32] : memref<80x128xi32, #tpu.memory_space<vmem>> -> memref<1x128xi32, #tpu.memory_space<vmem>>
        %dma_wait3A_34 = tpu.memref_squeeze %dma_wait3A_33 : memref<1x128xi32, #tpu.memory_space<vmem>> -> memref<128xi32, #tpu.memory_space<vmem>>
        %dma_wait3A_35 = arith.constant 0 : i32
        %dma_wait3A_36 = arith.constant 0 : i32
        %dma_wait3A_37 = tpu.memref_slice %arg10[%dma_wait3A_35, %dma_wait3A_36] : memref<10112x128xf32, #tpu.memory_space<vmem_shared>> -> memref<10112x128xf32, #tpu.memory_space<vmem_shared>>
        tpu.wait_indirect_dma semaphore(%run_scoped3A : memref<!tpu.dma_semaphore, #tpu.memory_space<semaphore_mem>>) src(%arg9 : memref<128x128xf32, #tpu.memory_space<vmem>>) dst(%dma_wait3A_37 : memref<10112x128xf32, #tpu.memory_space<vmem_shared>>)
        tpu.yield
      }) : () -> ()
    }
    %scan3A_9 = arith.constant 80 : i32
    %barrier3A_10 = arith.constant 0 : index
    tpu.barrier barrier_id(%barrier3A_10)
    %mul3A_11 = arith.constant 632 : i32
    %mul3A_12 = arith.muli %arg1, %mul3A_11 : i32
    %mul3A_13 = arith.constant 632 : i32
    %mul3A_14 = arith.muli %arg1, %mul3A_13 : i32
    "tpu.region"() ({
      %run_scoped3A = tpu.sem_alloc : memref<!tpu.dma_semaphore, #tpu.memory_space<semaphore_mem>>
      %dma_start3A = arith.constant 0 : i32
      %dma_start3A_15 = tpu.memref_slice %arg6[%arg0, %mul3A_14, %dma_start3A] : memref<2x10112x128xf32, #tpu.memory_space<hbm>> -> memref<1x632x128xf32, #tpu.memory_space<hbm>>
      %dma_start3A_16 = tpu.memref_squeeze %dma_start3A_15 : memref<1x632x128xf32, #tpu.memory_space<hbm>> -> memref<632x128xf32, #tpu.memory_space<hbm>>
      %dma_start3A_17 = arith.constant 0 : i32
      %dma_start3A_18 = tpu.memref_slice %arg10[%mul3A_12, %dma_start3A_17] : memref<10112x128xf32, #tpu.memory_space<vmem_shared>> -> memref<632x128xf32, #tpu.memory_space<vmem_shared>>
      tpu.enqueue_dma source(%dma_start3A_18 : memref<632x128xf32, #tpu.memory_space<vmem_shared>>) target(%dma_start3A_16 : memref<632x128xf32, #tpu.memory_space<hbm>>) target_semaphore(%run_scoped3A : memref<!tpu.dma_semaphore, #tpu.memory_space<semaphore_mem>>)
      %dma_wait3A = arith.constant 0 : i32
      %dma_wait3A_19 = tpu.memref_slice %arg6[%arg0, %mul3A_14, %dma_wait3A] : memref<2x10112x128xf32, #tpu.memory_space<hbm>> -> memref<1x632x128xf32, #tpu.memory_space<hbm>>
      %dma_wait3A_20 = tpu.memref_squeeze %dma_wait3A_19 : memref<1x632x128xf32, #tpu.memory_space<hbm>> -> memref<632x128xf32, #tpu.memory_space<hbm>>
      %dma_wait3A_21 = arith.constant 0 : i32
      %dma_wait3A_22 = tpu.memref_slice %arg10[%mul3A_12, %dma_wait3A_21] : memref<10112x128xf32, #tpu.memory_space<vmem_shared>> -> memref<632x128xf32, #tpu.memory_space<vmem_shared>>
      tpu.wait_dma2 semaphore(%run_scoped3A : memref<!tpu.dma_semaphore, #tpu.memory_space<semaphore_mem>>) src(%dma_wait3A_22 : memref<632x128xf32, #tpu.memory_space<vmem_shared>>) dst(%dma_wait3A_20 : memref<632x128xf32, #tpu.memory_space<hbm>>)
      tpu.yield
    }) : () -> ()
    return
  }
}

#map = affine_map<(d0, d1) -> (0, 0)>
#map1 = affine_map<(d0, d1) -> (0, 0, 0)>
module attributes {stable_mosaic.version = 14 : i64} {
  func.func @_agg_body(%arg0: i32, %arg1: i32, %arg2: memref<10000x128xf32, #tpu.memory_space<hbm>>, %arg3: memref<16x160x128xi32, #tpu.memory_space<hbm>>, %arg4: memref<16x160x128xi32, #tpu.memory_space<hbm>>, %arg5: memref<632x128xf32, #tpu.memory_space<hbm>>, %arg6: memref<2x10112x128xf32, #tpu.memory_space<hbm>>, %arg7: memref<80x128xi32, #tpu.memory_space<vmem>>, %arg8: memref<80x128xi32, #tpu.memory_space<vmem>>, %arg9: memref<128x128xf32, #tpu.memory_space<vmem>>, %arg10: memref<10112x128xf32, #tpu.memory_space<vmem_shared>>, %arg11: memref<!tpu.dma_semaphore, #tpu.memory_space<semaphore_mem>>) attributes {dimension_semantics = [#tpu.dimension_semantics<core_parallel>, #tpu.dimension_semantics<subcore_parallel>], iteration_bounds = array<i64: 2, 16>, scalar_prefetch = 0 : i64, scratch_operands = 5 : i64, tpu.core_type = #tpu.core_type<sc_vector_subcore>, window_params = [{transform_indices = #map}, {transform_indices = #map1}, {transform_indices = #map1}, {transform_indices = #map}, {transform_indices = #map1}]} {
    %mul3A = arith.constant 80 : i32
    %mul3A_0 = arith.muli %arg0, %mul3A : i32
    "tpu.region"() ({
      %run_scoped3A = tpu.sem_alloc : memref<!tpu.dma_semaphore, #tpu.memory_space<semaphore_mem>>
      %dma_start3A = arith.constant 0 : i32
      %dma_start3A_15 = tpu.memref_slice %arg3[%arg1, %mul3A_0, %dma_start3A] : memref<16x160x128xi32, #tpu.memory_space<hbm>> -> memref<1x80x128xi32, #tpu.memory_space<hbm>>
      %dma_start3A_16 = tpu.memref_squeeze %dma_start3A_15 : memref<1x80x128xi32, #tpu.memory_space<hbm>> -> memref<80x128xi32, #tpu.memory_space<hbm>>
      %dma_start3A_17 = arith.constant 0 : i32
      %dma_start3A_18 = tpu.memref_slice %arg3[%arg1, %mul3A_0, %dma_start3A_17] : memref<16x160x128xi32, #tpu.memory_space<hbm>> -> memref<1x80x128xi32, #tpu.memory_space<hbm>>
      %dma_start3A_19 = tpu.memref_squeeze %dma_start3A_18 : memref<1x80x128xi32, #tpu.memory_space<hbm>> -> memref<80x128xi32, #tpu.memory_space<hbm>>
      tpu.enqueue_dma source(%dma_start3A_19 : memref<80x128xi32, #tpu.memory_space<hbm>>) target(%arg7 : memref<80x128xi32, #tpu.memory_space<vmem>>) target_semaphore(%run_scoped3A : memref<!tpu.dma_semaphore, #tpu.memory_space<semaphore_mem>>)
      %dma_wait3A = arith.constant 0 : i32
      %dma_wait3A_20 = tpu.memref_slice %arg3[%arg1, %mul3A_0, %dma_wait3A] : memref<16x160x128xi32, #tpu.memory_space<hbm>> -> memref<1x80x128xi32, #tpu.memory_space<hbm>>
      %dma_wait3A_21 = tpu.memref_squeeze %dma_wait3A_20 : memref<1x80x128xi32, #tpu.memory_space<hbm>> -> memref<80x128xi32, #tpu.memory_space<hbm>>
      %dma_wait3A_22 = arith.constant 0 : i32
      %dma_wait3A_23 = tpu.memref_slice %arg3[%arg1, %mul3A_0, %dma_wait3A_22] : memref<16x160x128xi32, #tpu.memory_space<hbm>> -> memref<1x80x128xi32, #tpu.memory_space<hbm>>
      %dma_wait3A_24 = tpu.memref_squeeze %dma_wait3A_23 : memref<1x80x128xi32, #tpu.memory_space<hbm>> -> memref<80x128xi32, #tpu.memory_space<hbm>>
      tpu.wait_dma2 semaphore(%run_scoped3A : memref<!tpu.dma_semaphore, #tpu.memory_space<semaphore_mem>>) src(%dma_wait3A_24 : memref<80x128xi32, #tpu.memory_space<hbm>>) dst(%arg7 : memref<80x128xi32, #tpu.memory_space<vmem>>)
      tpu.yield
    }) : () -> ()
    %mul3A_1 = arith.constant 80 : i32
    %mul3A_2 = arith.muli %arg0, %mul3A_1 : i32
    "tpu.region"() ({
      %run_scoped3A = tpu.sem_alloc : memref<!tpu.dma_semaphore, #tpu.memory_space<semaphore_mem>>
      %dma_start3A = arith.constant 0 : i32
      %dma_start3A_15 = tpu.memref_slice %arg4[%arg1, %mul3A_2, %dma_start3A] : memref<16x160x128xi32, #tpu.memory_space<hbm>> -> memref<1x80x128xi32, #tpu.memory_space<hbm>>
      %dma_start3A_16 = tpu.memref_squeeze %dma_start3A_15 : memref<1x80x128xi32, #tpu.memory_space<hbm>> -> memref<80x128xi32, #tpu.memory_space<hbm>>
      %dma_start3A_17 = arith.constant 0 : i32
      %dma_start3A_18 = tpu.memref_slice %arg4[%arg1, %mul3A_2, %dma_start3A_17] : memref<16x160x128xi32, #tpu.memory_space<hbm>> -> memref<1x80x128xi32, #tpu.memory_space<hbm>>
      %dma_start3A_19 = tpu.memref_squeeze %dma_start3A_18 : memref<1x80x128xi32, #tpu.memory_space<hbm>> -> memref<80x128xi32, #tpu.memory_space<hbm>>
      tpu.enqueue_dma source(%dma_start3A_19 : memref<80x128xi32, #tpu.memory_space<hbm>>) target(%arg8 : memref<80x128xi32, #tpu.memory_space<vmem>>) target_semaphore(%run_scoped3A : memref<!tpu.dma_semaphore, #tpu.memory_space<semaphore_mem>>)
      %dma_wait3A = arith.constant 0 : i32
      %dma_wait3A_20 = tpu.memref_slice %arg4[%arg1, %mul3A_2, %dma_wait3A] : memref<16x160x128xi32, #tpu.memory_space<hbm>> -> memref<1x80x128xi32, #tpu.memory_space<hbm>>
      %dma_wait3A_21 = tpu.memref_squeeze %dma_wait3A_20 : memref<1x80x128xi32, #tpu.memory_space<hbm>> -> memref<80x128xi32, #tpu.memory_space<hbm>>
      %dma_wait3A_22 = arith.constant 0 : i32
      %dma_wait3A_23 = tpu.memref_slice %arg4[%arg1, %mul3A_2, %dma_wait3A_22] : memref<16x160x128xi32, #tpu.memory_space<hbm>> -> memref<1x80x128xi32, #tpu.memory_space<hbm>>
      %dma_wait3A_24 = tpu.memref_squeeze %dma_wait3A_23 : memref<1x80x128xi32, #tpu.memory_space<hbm>> -> memref<80x128xi32, #tpu.memory_space<hbm>>
      tpu.wait_dma2 semaphore(%run_scoped3A : memref<!tpu.dma_semaphore, #tpu.memory_space<semaphore_mem>>) src(%dma_wait3A_24 : memref<80x128xi32, #tpu.memory_space<hbm>>) dst(%arg8 : memref<80x128xi32, #tpu.memory_space<vmem>>)
      tpu.yield
    }) : () -> ()
    %mul3A_3 = arith.constant 632 : i32
    %mul3A_4 = arith.muli %arg1, %mul3A_3 : i32
    "tpu.region"() ({
      %run_scoped3A = tpu.sem_alloc : memref<!tpu.dma_semaphore, #tpu.memory_space<semaphore_mem>>
      %dma_start3A = arith.constant 0 : i32
      %dma_start3A_15 = tpu.memref_slice %arg10[%mul3A_4, %dma_start3A] : memref<10112x128xf32, #tpu.memory_space<vmem_shared>> -> memref<632x128xf32, #tpu.memory_space<vmem_shared>>
      tpu.enqueue_dma source(%arg5 : memref<632x128xf32, #tpu.memory_space<hbm>>) target(%dma_start3A_15 : memref<632x128xf32, #tpu.memory_space<vmem_shared>>) target_semaphore(%run_scoped3A : memref<!tpu.dma_semaphore, #tpu.memory_space<semaphore_mem>>)
      %dma_wait3A = arith.constant 0 : i32
      %dma_wait3A_16 = tpu.memref_slice %arg10[%mul3A_4, %dma_wait3A] : memref<10112x128xf32, #tpu.memory_space<vmem_shared>> -> memref<632x128xf32, #tpu.memory_space<vmem_shared>>
      tpu.wait_dma2 semaphore(%run_scoped3A : memref<!tpu.dma_semaphore, #tpu.memory_space<semaphore_mem>>) src(%arg5 : memref<632x128xf32, #tpu.memory_space<hbm>>) dst(%dma_wait3A_16 : memref<632x128xf32, #tpu.memory_space<vmem_shared>>)
      tpu.yield
    }) : () -> ()
    %barrier3A = arith.constant 0 : index
    tpu.barrier barrier_id(%barrier3A)
    %scan3A = arith.constant 0 : i32
    %scan3A_5 = arith.constant 0 : i32
    %scan3A_6 = arith.constant 80 : i32
    %scan3A_7 = arith.addi %scan3A_5, %scan3A_6 : i32
    %scan3A_8 = arith.constant 1 : i32
    scf.for %scan3A_15 = %scan3A_5 to %scan3A_7 step %scan3A_8  : i32 {
      %dma_start3A = arith.constant 0 : i32
      %dma_start3A_16 = tpu.memref_slice %arg7[%scan3A_15, %dma_start3A] : memref<80x128xi32, #tpu.memory_space<vmem>> -> memref<1x128xi32, #tpu.memory_space<vmem>>
      %dma_start3A_17 = tpu.memref_squeeze %dma_start3A_16 : memref<1x128xi32, #tpu.memory_space<vmem>> -> memref<128xi32, #tpu.memory_space<vmem>>
      %dma_start3A_18 = arith.constant 0 : i32
      %dma_start3A_19 = arith.constant 0 : i32
      %dma_start3A_20 = tpu.memref_slice %arg2[%dma_start3A_18, %dma_start3A_19] : memref<10000x128xf32, #tpu.memory_space<hbm>> -> memref<10000x128xf32, #tpu.memory_space<hbm>>
      tpu.enqueue_indirect_dma source(%dma_start3A_20 : memref<10000x128xf32, #tpu.memory_space<hbm>>) target(%arg9 : memref<128x128xf32, #tpu.memory_space<vmem>>) offsets(%dma_start3A_17 : memref<128xi32, #tpu.memory_space<vmem>>) semaphore(%arg11 : memref<!tpu.dma_semaphore, #tpu.memory_space<semaphore_mem>>)
      %dma_wait3A = arith.constant 0 : i32
      %dma_wait3A_21 = tpu.memref_slice %arg7[%scan3A_15, %dma_wait3A] : memref<80x128xi32, #tpu.memory_space<vmem>> -> memref<1x128xi32, #tpu.memory_space<vmem>>
      %dma_wait3A_22 = tpu.memref_squeeze %dma_wait3A_21 : memref<1x128xi32, #tpu.memory_space<vmem>> -> memref<128xi32, #tpu.memory_space<vmem>>
      %dma_wait3A_23 = arith.constant 0 : i32
      %dma_wait3A_24 = arith.constant 0 : i32
      %dma_wait3A_25 = tpu.memref_slice %arg2[%dma_wait3A_23, %dma_wait3A_24] : memref<10000x128xf32, #tpu.memory_space<hbm>> -> memref<10000x128xf32, #tpu.memory_space<hbm>>
      tpu.wait_indirect_dma semaphore(%arg11 : memref<!tpu.dma_semaphore, #tpu.memory_space<semaphore_mem>>) src(%dma_wait3A_25 : memref<10000x128xf32, #tpu.memory_space<hbm>>) dst(%arg9 : memref<128x128xf32, #tpu.memory_space<vmem>>)
      "tpu.region"() ({
        %run_scoped3A = tpu.sem_alloc : memref<!tpu.dma_semaphore, #tpu.memory_space<semaphore_mem>>
        %dma_start3A_26 = arith.constant 0 : i32
        %dma_start3A_27 = tpu.memref_slice %arg8[%scan3A_15, %dma_start3A_26] : memref<80x128xi32, #tpu.memory_space<vmem>> -> memref<1x128xi32, #tpu.memory_space<vmem>>
        %dma_start3A_28 = tpu.memref_squeeze %dma_start3A_27 : memref<1x128xi32, #tpu.memory_space<vmem>> -> memref<128xi32, #tpu.memory_space<vmem>>
        %dma_start3A_29 = arith.constant 0 : i32
        %dma_start3A_30 = arith.constant 0 : i32
        %dma_start3A_31 = tpu.memref_slice %arg10[%dma_start3A_29, %dma_start3A_30] : memref<10112x128xf32, #tpu.memory_space<vmem_shared>> -> memref<10112x128xf32, #tpu.memory_space<vmem_shared>>
        tpu.enqueue_indirect_dma source(%arg9 : memref<128x128xf32, #tpu.memory_space<vmem>>) target(%dma_start3A_31 : memref<10112x128xf32, #tpu.memory_space<vmem_shared>>) offsets(%dma_start3A_28 : memref<128xi32, #tpu.memory_space<vmem>>) semaphore(%run_scoped3A : memref<!tpu.dma_semaphore, #tpu.memory_space<semaphore_mem>>) {add = true}
        %dma_wait3A_32 = arith.constant 0 : i32
        %dma_wait3A_33 = tpu.memref_slice %arg8[%scan3A_15, %dma_wait3A_32] : memref<80x128xi32, #tpu.memory_space<vmem>> -> memref<1x128xi32, #tpu.memory_space<vmem>>
        %dma_wait3A_34 = tpu.memref_squeeze %dma_wait3A_33 : memref<1x128xi32, #tpu.memory_space<vmem>> -> memref<128xi32, #tpu.memory_space<vmem>>
        %dma_wait3A_35 = arith.constant 0 : i32
        %dma_wait3A_36 = arith.constant 0 : i32
        %dma_wait3A_37 = tpu.memref_slice %arg10[%dma_wait3A_35, %dma_wait3A_36] : memref<10112x128xf32, #tpu.memory_space<vmem_shared>> -> memref<10112x128xf32, #tpu.memory_space<vmem_shared>>
        tpu.wait_indirect_dma semaphore(%run_scoped3A : memref<!tpu.dma_semaphore, #tpu.memory_space<semaphore_mem>>) src(%arg9 : memref<128x128xf32, #tpu.memory_space<vmem>>) dst(%dma_wait3A_37 : memref<10112x128xf32, #tpu.memory_space<vmem_shared>>)
        tpu.yield
      }) : () -> ()
    }
    %scan3A_9 = arith.constant 80 : i32
    %barrier3A_10 = arith.constant 0 : index
    tpu.barrier barrier_id(%barrier3A_10)
    %mul3A_11 = arith.constant 632 : i32
    %mul3A_12 = arith.muli %arg1, %mul3A_11 : i32
    %mul3A_13 = arith.constant 632 : i32
    %mul3A_14 = arith.muli %arg1, %mul3A_13 : i32
    "tpu.region"() ({
      %run_scoped3A = tpu.sem_alloc : memref<!tpu.dma_semaphore, #tpu.memory_space<semaphore_mem>>
      %dma_start3A = arith.constant 0 : i32
      %dma_start3A_15 = tpu.memref_slice %arg6[%arg0, %mul3A_14, %dma_start3A] : memref<2x10112x128xf32, #tpu.memory_space<hbm>> -> memref<1x632x128xf32, #tpu.memory_space<hbm>>
      %dma_start3A_16 = tpu.memref_squeeze %dma_start3A_15 : memref<1x632x128xf32, #tpu.memory_space<hbm>> -> memref<632x128xf32, #tpu.memory_space<hbm>>
      %dma_start3A_17 = arith.constant 0 : i32
      %dma_start3A_18 = tpu.memref_slice %arg10[%mul3A_12, %dma_start3A_17] : memref<10112x128xf32, #tpu.memory_space<vmem_shared>> -> memref<632x128xf32, #tpu.memory_space<vmem_shared>>
      tpu.enqueue_dma source(%dma_start3A_18 : memref<632x128xf32, #tpu.memory_space<vmem_shared>>) target(%dma_start3A_16 : memref<632x128xf32, #tpu.memory_space<hbm>>) target_semaphore(%run_scoped3A : memref<!tpu.dma_semaphore, #tpu.memory_space<semaphore_mem>>)
      %dma_wait3A = arith.constant 0 : i32
      %dma_wait3A_19 = tpu.memref_slice %arg6[%arg0, %mul3A_14, %dma_wait3A] : memref<2x10112x128xf32, #tpu.memory_space<hbm>> -> memref<1x632x128xf32, #tpu.memory_space<hbm>>
      %dma_wait3A_20 = tpu.memref_squeeze %dma_wait3A_19 : memref<1x632x128xf32, #tpu.memory_space<hbm>> -> memref<632x128xf32, #tpu.memory_space<hbm>>
      %dma_wait3A_21 = arith.constant 0 : i32
      %dma_wait3A_22 = tpu.memref_slice %arg10[%mul3A_12, %dma_wait3A_21] : memref<10112x128xf32, #tpu.memory_space<vmem_shared>> -> memref<632x128xf32, #tpu.memory_space<vmem_shared>>
      tpu.wait_dma2 semaphore(%run_scoped3A : memref<!tpu.dma_semaphore, #tpu.memory_space<semaphore_mem>>) src(%dma_wait3A_22 : memref<632x128xf32, #tpu.memory_space<vmem_shared>>) dst(%dma_wait3A_20 : memref<632x128xf32, #tpu.memory_space<hbm>>)
      tpu.yield
    }) : () -> ()
    return
  }
}

module attributes {stable_mosaic.version = 14 : i64} {
  func.func @_scale1_body(%arg0: i32, %arg1: memref<400x128xf32, #tpu.memory_space<vmem>>, %arg2: memref<128x128xf32, #tpu.memory_space<vmem>>, %arg3: memref<400x32xf32, #tpu.memory_space<vmem>>, %arg4: memref<400x128xf32, #tpu.memory_space<vmem>>, %arg5: memref<400x1xf32, #tpu.memory_space<vmem>>) attributes {dimension_semantics = [#tpu.dimension_semantics<arbitrary>], iteration_bounds = array<i64: 25>, scalar_prefetch = 0 : i64, scratch_operands = 0 : i64, tpu.core_type = #tpu.core_type<tc>, window_params = [{transform_indices = @transform_0, window_bounds = array<i64: 400, 128>}, {pipeline_mode = #tpu.pipeline_mode<synchronous>, transform_indices = @transform_1, window_bounds = array<i64: 128, 128>}, {transform_indices = @transform_2, window_bounds = array<i64: 400, 32>}, {transform_indices = @transform_3, window_bounds = array<i64: 400, 128>}, {transform_indices = @transform_4, window_bounds = array<i64: 400, 1>}]} {
    %get3A = arith.constant 0 : index
    %get3A_0 = arith.constant 0 : index
    %get3A_1 = vector.load %arg1[%get3A, %get3A_0] : memref<400x128xf32, #tpu.memory_space<vmem>>, vector<400x128xf32>
    %get3A_2 = arith.constant 0 : index
    %get3A_3 = arith.constant 0 : index
    %get3A_4 = vector.load %arg2[%get3A_2, %get3A_3] : memref<128x128xf32, #tpu.memory_space<vmem>>, vector<128x128xf32>
    %dot_general3A = arith.constant dense<0.000000e+00> : vector<400x128xf32>
    %dot_general3A_5 = tpu.matmul %get3A_1, %get3A_4, %dot_general3A {dimension_numbers = #tpu.dot_dimension_numbers<[1], [0], [0], [1], [0, 0, 1, 1], [], []>, transpose_lhs_hint = false} : vector<400x128xf32>, vector<128x128xf32>, vector<400x128xf32> -> vector<400x128xf32>
    %get3A_6 = arith.constant 0 : index
    %get3A_7 = arith.constant 0 : index
    %get3A_8 = vector.load %arg3[%get3A_6, %get3A_7] : memref<400x32xf32, #tpu.memory_space<vmem>>, vector<400x32xf32>
    %reduce_sum3A = arith.constant dense<0.000000e+00> : vector<400xf32>
    %reduce_sum3A_9 = vector.multi_reduction <add>, %get3A_8, %reduce_sum3A [1] : vector<400x32xf32> to vector<400xf32>
    %broadcast_in_dim3A = vector.shape_cast %reduce_sum3A_9 : vector<400xf32> to vector<400x1xf32>
    %add3A = arith.constant 1.000000e+00 : f32
    %add3A_10 = vector.broadcast %add3A : f32 to vector<400x1xf32>
    %add3A_11 = arith.addf %broadcast_in_dim3A, %add3A_10 : vector<400x1xf32>
    %rsqrt3A = math.rsqrt %add3A_11 : vector<400x1xf32>
    %mul3A = vector.broadcast %rsqrt3A : vector<400x1xf32> to vector<400x128xf32>
    %mul3A_12 = arith.mulf %dot_general3A_5, %mul3A : vector<400x128xf32>
    %swap3A = arith.constant 0 : index
    %swap3A_13 = arith.constant 0 : index
    %swap3A_14 = vector.load %arg4[%swap3A, %swap3A_13] : memref<400x128xf32, #tpu.memory_space<vmem>>, vector<400x128xf32>
    tpu.vector_store %arg4[%swap3A, %swap3A_13], %mul3A_12 {strides = array<i32>} : memref<400x128xf32, #tpu.memory_space<vmem>>, vector<400x128xf32>,
    %swap3A_15 = arith.constant 0 : index
    %swap3A_16 = arith.constant 0 : index
    %swap3A_17 = vector.load %arg5[%swap3A_15, %swap3A_16] : memref<400x1xf32, #tpu.memory_space<vmem>>, vector<400x1xf32>
    tpu.vector_store %arg5[%swap3A_15, %swap3A_16], %rsqrt3A {strides = array<i32>} : memref<400x1xf32, #tpu.memory_space<vmem>>, vector<400x1xf32>,
    return
  }
  func.func @transform_0(%arg0: i32) -> (i32, i32) {
    %c0_i32 = arith.constant 0 : i32
    %c0_i32_0 = arith.constant 0 : i32
    return %arg0, %c0_i32 : i32, i32
  }
  func.func @transform_1(%arg0: i32) -> (i32, i32) {
    %c0_i32 = arith.constant 0 : i32
    %c0_i32_0 = arith.constant 0 : i32
    %c0_i32_1 = arith.constant 0 : i32
    return %c0_i32, %c0_i32_0 : i32, i32
  }
  func.func @transform_2(%arg0: i32) -> (i32, i32) {
    %c0_i32 = arith.constant 0 : i32
    %c0_i32_0 = arith.constant 0 : i32
    return %arg0, %c0_i32 : i32, i32
  }
  func.func @transform_3(%arg0: i32) -> (i32, i32) {
    %c0_i32 = arith.constant 0 : i32
    %c0_i32_0 = arith.constant 0 : i32
    return %arg0, %c0_i32 : i32, i32
  }
  func.func @transform_4(%arg0: i32) -> (i32, i32) {
    %c0_i32 = arith.constant 0 : i32
    %c0_i32_0 = arith.constant 0 : i32
    return %arg0, %c0_i32 : i32, i32
  }
}

module attributes {stable_mosaic.version = 14 : i64} {
  func.func @_layer2_body(%arg0: i32, %arg1: memref<1x400x128xf32, #tpu.memory_space<vmem>>, %arg2: memref<1x400x128xf32, #tpu.memory_space<vmem>>, %arg3: memref<400x128xf32, #tpu.memory_space<vmem>>, %arg4: memref<400x1xf32, #tpu.memory_space<vmem>>, %arg5: memref<1x128xf32, #tpu.memory_space<vmem>>, %arg6: memref<128x128xf32, #tpu.memory_space<vmem>>, %arg7: memref<400x128xf32, #tpu.memory_space<vmem>>) attributes {dimension_semantics = [#tpu.dimension_semantics<arbitrary>], iteration_bounds = array<i64: 25>, scalar_prefetch = 0 : i64, scratch_operands = 0 : i64, tpu.core_type = #tpu.core_type<tc>, window_params = [{transform_indices = @transform_0, window_bounds = array<i64: 1, 400, 128>}, {transform_indices = @transform_1, window_bounds = array<i64: 1, 400, 128>}, {transform_indices = @transform_2, window_bounds = array<i64: 400, 128>}, {transform_indices = @transform_3, window_bounds = array<i64: 400, 1>}, {pipeline_mode = #tpu.pipeline_mode<synchronous>, transform_indices = @transform_4, window_bounds = array<i64: 1, 128>}, {pipeline_mode = #tpu.pipeline_mode<synchronous>, transform_indices = @transform_5, window_bounds = array<i64: 128, 128>}, {transform_indices = @transform_6, window_bounds = array<i64: 400, 128>}]} {
    %get3A = arith.constant 0 : index
    %get3A_0 = arith.constant 0 : index
    %get3A_1 = arith.constant 0 : index
    %get3A_2 = vector.load %arg1[%get3A, %get3A_0, %get3A_1] : memref<1x400x128xf32, #tpu.memory_space<vmem>>, vector<1x400x128xf32>
    %get3A_3 = vector.shape_cast %get3A_2 : vector<1x400x128xf32> to vector<400x128xf32>
    %get3A_4 = arith.constant 0 : index
    %get3A_5 = arith.constant 0 : index
    %get3A_6 = arith.constant 0 : index
    %get3A_7 = vector.load %arg2[%get3A_4, %get3A_5, %get3A_6] : memref<1x400x128xf32, #tpu.memory_space<vmem>>, vector<1x400x128xf32>
    %get3A_8 = vector.shape_cast %get3A_7 : vector<1x400x128xf32> to vector<400x128xf32>
    %add3A = arith.addf %get3A_3, %get3A_8 : vector<400x128xf32>
    %get3A_9 = arith.constant 0 : index
    %get3A_10 = arith.constant 0 : index
    %get3A_11 = vector.load %arg3[%get3A_9, %get3A_10] : memref<400x128xf32, #tpu.memory_space<vmem>>, vector<400x128xf32>
    %add3A_12 = arith.addf %add3A, %get3A_11 : vector<400x128xf32>
    %get3A_13 = arith.constant 0 : index
    %get3A_14 = arith.constant 0 : index
    %get3A_15 = vector.load %arg4[%get3A_13, %get3A_14] : memref<400x1xf32, #tpu.memory_space<vmem>>, vector<400x1xf32>
    %mul3A = vector.broadcast %get3A_15 : vector<400x1xf32> to vector<400x128xf32>
    %mul3A_16 = arith.mulf %mul3A, %add3A_12 : vector<400x128xf32>
    %get3A_17 = arith.constant 0 : index
    %get3A_18 = arith.constant 0 : index
    %get3A_19 = vector.load %arg5[%get3A_17, %get3A_18] : memref<1x128xf32, #tpu.memory_space<vmem>>, vector<1x128xf32>
    %add3A_20 = vector.broadcast %get3A_19 : vector<1x128xf32> to vector<400x128xf32>
    %add3A_21 = arith.addf %mul3A_16, %add3A_20 : vector<400x128xf32>
    %max3A = arith.constant 0.000000e+00 : f32
    %max3A_22 = vector.broadcast %max3A : f32 to vector<400x128xf32>
    %max3A_23 = arith.maximumf %add3A_21, %max3A_22 : vector<400x128xf32>
    %get3A_24 = arith.constant 0 : index
    %get3A_25 = arith.constant 0 : index
    %get3A_26 = vector.load %arg6[%get3A_24, %get3A_25] : memref<128x128xf32, #tpu.memory_space<vmem>>, vector<128x128xf32>
    %dot_general3A = arith.constant dense<0.000000e+00> : vector<400x128xf32>
    %dot_general3A_27 = tpu.matmul %max3A_23, %get3A_26, %dot_general3A {dimension_numbers = #tpu.dot_dimension_numbers<[1], [0], [0], [1], [0, 0, 1, 1], [], []>, transpose_lhs_hint = false} : vector<400x128xf32>, vector<128x128xf32>, vector<400x128xf32> -> vector<400x128xf32>
    %get3A_28 = arith.constant 0 : index
    %get3A_29 = arith.constant 0 : index
    %get3A_30 = vector.load %arg4[%get3A_28, %get3A_29] : memref<400x1xf32, #tpu.memory_space<vmem>>, vector<400x1xf32>
    %mul3A_31 = vector.broadcast %get3A_30 : vector<400x1xf32> to vector<400x128xf32>
    %mul3A_32 = arith.mulf %dot_general3A_27, %mul3A_31 : vector<400x128xf32>
    %swap3A = arith.constant 0 : index
    %swap3A_33 = arith.constant 0 : index
    %swap3A_34 = vector.load %arg7[%swap3A, %swap3A_33] : memref<400x128xf32, #tpu.memory_space<vmem>>, vector<400x128xf32>
    tpu.vector_store %arg7[%swap3A, %swap3A_33], %mul3A_32 {strides = array<i32>} : memref<400x128xf32, #tpu.memory_space<vmem>>, vector<400x128xf32>,
    return
  }
  func.func @transform_0(%arg0: i32) -> (i32, i32, i32) {
    %c0_i32 = arith.constant 0 : i32
    %c0_i32_0 = arith.constant 0 : i32
    %c0_i32_1 = arith.constant 0 : i32
    return %c0_i32, %arg0, %c0_i32_0 : i32, i32, i32
  }
  func.func @transform_1(%arg0: i32) -> (i32, i32, i32) {
    %c1_i32 = arith.constant 1 : i32
    %c0_i32 = arith.constant 0 : i32
    %c0_i32_0 = arith.constant 0 : i32
    return %c1_i32, %arg0, %c0_i32 : i32, i32, i32
  }
  func.func @transform_2(%arg0: i32) -> (i32, i32) {
    %c0_i32 = arith.constant 0 : i32
    %c0_i32_0 = arith.constant 0 : i32
    return %arg0, %c0_i32 : i32, i32
  }
  func.func @transform_3(%arg0: i32) -> (i32, i32) {
    %c0_i32 = arith.constant 0 : i32
    %c0_i32_0 = arith.constant 0 : i32
    return %arg0, %c0_i32 : i32, i32
  }
  func.func @transform_4(%arg0: i32) -> (i32, i32) {
    %c0_i32 = arith.constant 0 : i32
    %c0_i32_0 = arith.constant 0 : i32
    %c0_i32_1 = arith.constant 0 : i32
    return %c0_i32, %c0_i32_0 : i32, i32
  }
  func.func @transform_5(%arg0: i32) -> (i32, i32) {
    %c0_i32 = arith.constant 0 : i32
    %c0_i32_0 = arith.constant 0 : i32
    %c0_i32_1 = arith.constant 0 : i32
    return %c0_i32, %c0_i32_0 : i32, i32
  }
  func.func @transform_6(%arg0: i32) -> (i32, i32) {
    %c0_i32 = arith.constant 0 : i32
    %c0_i32_0 = arith.constant 0 : i32
    return %arg0, %c0_i32 : i32, i32
  }
}

module attributes {stable_mosaic.version = 14 : i64} {
  func.func @_final_body(%arg0: i32, %arg1: memref<1x400x128xf32, #tpu.memory_space<vmem>>, %arg2: memref<1x400x128xf32, #tpu.memory_space<vmem>>, %arg3: memref<400x128xf32, #tpu.memory_space<vmem>>, %arg4: memref<400x1xf32, #tpu.memory_space<vmem>>, %arg5: memref<1x128xf32, #tpu.memory_space<vmem>>, %arg6: memref<400x1xi32, #tpu.memory_space<vmem>>, %arg7: memref<128x64xf32, #tpu.memory_space<vmem>>, %arg8: memref<1x64xf32, #tpu.memory_space<vmem>>, %arg9: memref<64x1xf32, #tpu.memory_space<vmem>>, %arg10: memref<1x1xf32, #tpu.memory_space<vmem>>, %arg11: memref<64x1xf32, #tpu.memory_space<vmem>>, %arg12: memref<64x128xf32, #tpu.memory_space<vmem>>, %arg13: memref<64x1xf32, #tpu.memory_space<vmem>>) attributes {dimension_semantics = [#tpu.dimension_semantics<arbitrary>], iteration_bounds = array<i64: 25>, scalar_prefetch = 0 : i64, scratch_operands = 2 : i64, tpu.core_type = #tpu.core_type<tc>, window_params = [{transform_indices = @transform_0, window_bounds = array<i64: 1, 400, 128>}, {transform_indices = @transform_1, window_bounds = array<i64: 1, 400, 128>}, {transform_indices = @transform_2, window_bounds = array<i64: 400, 128>}, {transform_indices = @transform_3, window_bounds = array<i64: 400, 1>}, {pipeline_mode = #tpu.pipeline_mode<synchronous>, transform_indices = @transform_4, window_bounds = array<i64: 1, 128>}, {transform_indices = @transform_5, window_bounds = array<i64: 400, 1>}, {pipeline_mode = #tpu.pipeline_mode<synchronous>, transform_indices = @transform_6, window_bounds = array<i64: 128, 64>}, {pipeline_mode = #tpu.pipeline_mode<synchronous>, transform_indices = @transform_7, window_bounds = array<i64: 1, 64>}, {pipeline_mode = #tpu.pipeline_mode<synchronous>, transform_indices = @transform_8, window_bounds = array<i64: 64, 1>}, {pipeline_mode = #tpu.pipeline_mode<synchronous>, transform_indices = @transform_9, window_bounds = array<i64: 1, 1>}, {pipeline_mode = #tpu.pipeline_mode<synchronous>, transform_indices = @transform_10, window_bounds = array<i64: 64, 1>}]} {
    %eq3A = arith.constant 0 : i32
    %eq3A_0 = arith.cmpi eq, %arg0, %eq3A : i32
    %convert_element_type3A = arith.extui %eq3A_0 : i1 to i32
    %cond3A = arith.constant 0 : i32
    %cond3A_1 = arith.cmpi ne, %convert_element_type3A, %cond3A : i32
    scf.if %cond3A_1 {
      %broadcast_in_dim3A_53 = arith.constant 0.000000e+00 : f32
      %broadcast_in_dim3A_54 = vector.broadcast %broadcast_in_dim3A_53 : f32 to vector<64x128xf32>
      %swap3A_55 = arith.constant 0 : index
      %swap3A_56 = arith.constant 0 : index
      %swap3A_57 = vector.load %arg12[%swap3A_55, %swap3A_56] : memref<64x128xf32, #tpu.memory_space<vmem>>, vector<64x128xf32>
      tpu.vector_store %arg12[%swap3A_55, %swap3A_56], %broadcast_in_dim3A_54 {strides = array<i32>} : memref<64x128xf32, #tpu.memory_space<vmem>>, vector<64x128xf32>,
      %broadcast_in_dim3A_58 = arith.constant 0.000000e+00 : f32
      %broadcast_in_dim3A_59 = vector.broadcast %broadcast_in_dim3A_58 : f32 to vector<64x1xf32>
      %swap3A_60 = arith.constant 0 : index
      %swap3A_61 = arith.constant 0 : index
      %swap3A_62 = vector.load %arg13[%swap3A_60, %swap3A_61] : memref<64x1xf32, #tpu.memory_space<vmem>>, vector<64x1xf32>
      tpu.vector_store %arg13[%swap3A_60, %swap3A_61], %broadcast_in_dim3A_59 {strides = array<i32>} : memref<64x1xf32, #tpu.memory_space<vmem>>, vector<64x1xf32>,
    } else {
    }
    %get3A = arith.constant 0 : index
    %get3A_2 = arith.constant 0 : index
    %get3A_3 = arith.constant 0 : index
    %get3A_4 = vector.load %arg1[%get3A, %get3A_2, %get3A_3] : memref<1x400x128xf32, #tpu.memory_space<vmem>>, vector<1x400x128xf32>
    %get3A_5 = vector.shape_cast %get3A_4 : vector<1x400x128xf32> to vector<400x128xf32>
    %get3A_6 = arith.constant 0 : index
    %get3A_7 = arith.constant 0 : index
    %get3A_8 = arith.constant 0 : index
    %get3A_9 = vector.load %arg2[%get3A_6, %get3A_7, %get3A_8] : memref<1x400x128xf32, #tpu.memory_space<vmem>>, vector<1x400x128xf32>
    %get3A_10 = vector.shape_cast %get3A_9 : vector<1x400x128xf32> to vector<400x128xf32>
    %add3A = arith.addf %get3A_5, %get3A_10 : vector<400x128xf32>
    %get3A_11 = arith.constant 0 : index
    %get3A_12 = arith.constant 0 : index
    %get3A_13 = vector.load %arg3[%get3A_11, %get3A_12] : memref<400x128xf32, #tpu.memory_space<vmem>>, vector<400x128xf32>
    %add3A_14 = arith.addf %add3A, %get3A_13 : vector<400x128xf32>
    %get3A_15 = arith.constant 0 : index
    %get3A_16 = arith.constant 0 : index
    %get3A_17 = vector.load %arg4[%get3A_15, %get3A_16] : memref<400x1xf32, #tpu.memory_space<vmem>>, vector<400x1xf32>
    %mul3A = vector.broadcast %get3A_17 : vector<400x1xf32> to vector<400x128xf32>
    %mul3A_18 = arith.mulf %mul3A, %add3A_14 : vector<400x128xf32>
    %get3A_19 = arith.constant 0 : index
    %get3A_20 = arith.constant 0 : index
    %get3A_21 = vector.load %arg5[%get3A_19, %get3A_20] : memref<1x128xf32, #tpu.memory_space<vmem>>, vector<1x128xf32>
    %add3A_22 = vector.broadcast %get3A_21 : vector<1x128xf32> to vector<400x128xf32>
    %add3A_23 = arith.addf %mul3A_18, %add3A_22 : vector<400x128xf32>
    %iota3A = tpu.iota {dimensions = array<i32: 1>} : vector<400x64xi32>
    %get3A_24 = arith.constant 0 : index
    %get3A_25 = arith.constant 0 : index
    %get3A_26 = vector.load %arg6[%get3A_24, %get3A_25] : memref<400x1xi32, #tpu.memory_space<vmem>>, vector<400x1xi32>
    %eq3A_27 = vector.broadcast %get3A_26 : vector<400x1xi32> to vector<400x64xi32>
    %eq3A_28 = arith.cmpi eq, %iota3A, %eq3A_27 : vector<400x64xi32>
    %convert_element_type3A_29 = arith.extui %eq3A_28 : vector<400x64xi1> to vector<400x64xi32>
    %convert_element_type3A_30 = arith.sitofp %convert_element_type3A_29 : vector<400x64xi32> to vector<400x64xf32>
    %get3A_31 = arith.constant 0 : index
    %get3A_32 = arith.constant 0 : index
    %get3A_33 = vector.load %arg12[%get3A_31, %get3A_32] : memref<64x128xf32, #tpu.memory_space<vmem>>, vector<64x128xf32>
    %dot_general3A = arith.constant dense<0.000000e+00> : vector<64x128xf32>
    %dot_general3A_34 = tpu.matmul %convert_element_type3A_30, %add3A_23, %dot_general3A {dimension_numbers = #tpu.dot_dimension_numbers<[0], [0], [1], [1], [0, 1, 1, 1], [], []>, transpose_lhs_hint = false} : vector<400x64xf32>, vector<400x128xf32>, vector<64x128xf32> -> vector<64x128xf32>
    %add3A_35 = arith.addf %get3A_33, %dot_general3A_34 : vector<64x128xf32>
    %swap3A = arith.constant 0 : index
    %swap3A_36 = arith.constant 0 : index
    %swap3A_37 = vector.load %arg12[%swap3A, %swap3A_36] : memref<64x128xf32, #tpu.memory_space<vmem>>, vector<64x128xf32>
    tpu.vector_store %arg12[%swap3A, %swap3A_36], %add3A_35 {strides = array<i32>} : memref<64x128xf32, #tpu.memory_space<vmem>>, vector<64x128xf32>,
    %get3A_38 = arith.constant 0 : index
    %get3A_39 = arith.constant 0 : index
    %get3A_40 = vector.load %arg13[%get3A_38, %get3A_39] : memref<64x1xf32, #tpu.memory_space<vmem>>, vector<64x1xf32>
    %broadcast_in_dim3A = arith.constant 1.000000e+00 : f32
    %broadcast_in_dim3A_41 = vector.broadcast %broadcast_in_dim3A : f32 to vector<400x1xf32>
    %dot_general3A_42 = arith.constant dense<0.000000e+00> : vector<64x1xf32>
    %dot_general3A_43 = tpu.matmul %convert_element_type3A_30, %broadcast_in_dim3A_41, %dot_general3A_42 {dimension_numbers = #tpu.dot_dimension_numbers<[0], [0], [1], [1], [0, 1, 1, 1], [], []>, transpose_lhs_hint = false} : vector<400x64xf32>, vector<400x1xf32>, vector<64x1xf32> -> vector<64x1xf32>
    %add3A_44 = arith.addf %get3A_40, %dot_general3A_43 : vector<64x1xf32>
    %swap3A_45 = arith.constant 0 : index
    %swap3A_46 = arith.constant 0 : index
    %swap3A_47 = vector.load %arg13[%swap3A_45, %swap3A_46] : memref<64x1xf32, #tpu.memory_space<vmem>>, vector<64x1xf32>
    tpu.vector_store %arg13[%swap3A_45, %swap3A_46], %add3A_44 {strides = array<i32>} : memref<64x1xf32, #tpu.memory_space<vmem>>, vector<64x1xf32>,
    %eq3A_48 = arith.constant 24 : i32
    %eq3A_49 = arith.cmpi eq, %arg0, %eq3A_48 : i32
    %convert_element_type3A_50 = arith.extui %eq3A_49 : i1 to i32
    %cond3A_51 = arith.constant 0 : i32
    %cond3A_52 = arith.cmpi ne, %convert_element_type3A_50, %cond3A_51 : i32
    scf.if %cond3A_52 {
      %get3A_53 = arith.constant 0 : index
      %get3A_54 = arith.constant 0 : index
      %get3A_55 = vector.load %arg12[%get3A_53, %get3A_54] : memref<64x128xf32, #tpu.memory_space<vmem>>, vector<64x128xf32>
      %get3A_56 = arith.constant 0 : index
      %get3A_57 = arith.constant 0 : index
      %get3A_58 = vector.load %arg13[%get3A_56, %get3A_57] : memref<64x1xf32, #tpu.memory_space<vmem>>, vector<64x1xf32>
      %max3A = arith.constant 1.000000e+00 : f32
      %max3A_59 = vector.broadcast %max3A : f32 to vector<64x1xf32>
      %max3A_60 = arith.maximumf %get3A_58, %max3A_59 : vector<64x1xf32>
      %div3A = vector.broadcast %max3A_60 : vector<64x1xf32> to vector<64x128xf32>
      %div3A_61 = arith.divf %get3A_55, %div3A : vector<64x128xf32>
      %get3A_62 = arith.constant 0 : index
      %get3A_63 = arith.constant 0 : index
      %get3A_64 = vector.load %arg7[%get3A_62, %get3A_63] : memref<128x64xf32, #tpu.memory_space<vmem>>, vector<128x64xf32>
      %dot_general3A_65 = arith.constant dense<0.000000e+00> : vector<64x64xf32>
      %dot_general3A_66 = tpu.matmul %div3A_61, %get3A_64, %dot_general3A_65 {dimension_numbers = #tpu.dot_dimension_numbers<[1], [0], [0], [1], [0, 0, 1, 1], [], []>, transpose_lhs_hint = false} : vector<64x128xf32>, vector<128x64xf32>, vector<64x64xf32> -> vector<64x64xf32>
      %get3A_67 = arith.constant 0 : index
      %get3A_68 = arith.constant 0 : index
      %get3A_69 = vector.load %arg8[%get3A_67, %get3A_68] : memref<1x64xf32, #tpu.memory_space<vmem>>, vector<1x64xf32>
      %add3A_70 = vector.broadcast %get3A_69 : vector<1x64xf32> to vector<64x64xf32>
      %add3A_71 = arith.addf %dot_general3A_66, %add3A_70 : vector<64x64xf32>
      %max3A_72 = arith.constant 0.000000e+00 : f32
      %max3A_73 = vector.broadcast %max3A_72 : f32 to vector<64x64xf32>
      %max3A_74 = arith.maximumf %add3A_71, %max3A_73 : vector<64x64xf32>
      %get3A_75 = arith.constant 0 : index
      %get3A_76 = arith.constant 0 : index
      %get3A_77 = vector.load %arg9[%get3A_75, %get3A_76] : memref<64x1xf32, #tpu.memory_space<vmem>>, vector<64x1xf32>
      %dot_general3A_78 = arith.constant dense<0.000000e+00> : vector<64x1xf32>
      %dot_general3A_79 = tpu.matmul %max3A_74, %get3A_77, %dot_general3A_78 {dimension_numbers = #tpu.dot_dimension_numbers<[1], [0], [0], [1], [0, 0, 1, 1], [], []>, transpose_lhs_hint = false} : vector<64x64xf32>, vector<64x1xf32>, vector<64x1xf32> -> vector<64x1xf32>
      %get3A_80 = arith.constant 0 : index
      %get3A_81 = arith.constant 0 : index
      %get3A_82 = vector.load %arg10[%get3A_80, %get3A_81] : memref<1x1xf32, #tpu.memory_space<vmem>>, vector<1x1xf32>
      %add3A_83 = vector.broadcast %get3A_82 : vector<1x1xf32> to vector<64x1xf32>
      %add3A_84 = arith.addf %dot_general3A_79, %add3A_83 : vector<64x1xf32>
      %logistic3A = arith.negf %add3A_84 : vector<64x1xf32>
      %logistic3A_85 = math.exp %logistic3A : vector<64x1xf32>
      %logistic3A_86 = arith.constant 1.000000e+00 : f32
      %logistic3A_87 = vector.broadcast %logistic3A_86 : f32 to vector<64x1xf32>
      %logistic3A_88 = arith.addf %logistic3A_87, %logistic3A_85 : vector<64x1xf32>
      %logistic3A_89 = arith.divf %logistic3A_87, %logistic3A_88 : vector<64x1xf32>
      %swap3A_90 = arith.constant 0 : index
      %swap3A_91 = arith.constant 0 : index
      %swap3A_92 = vector.load %arg11[%swap3A_90, %swap3A_91] : memref<64x1xf32, #tpu.memory_space<vmem>>, vector<64x1xf32>
      tpu.vector_store %arg11[%swap3A_90, %swap3A_91], %logistic3A_89 {strides = array<i32>} : memref<64x1xf32, #tpu.memory_space<vmem>>, vector<64x1xf32>,
    } else {
    }
    return
  }
  func.func @transform_0(%arg0: i32) -> (i32, i32, i32) {
    %c0_i32 = arith.constant 0 : i32
    %c0_i32_0 = arith.constant 0 : i32
    %c0_i32_1 = arith.constant 0 : i32
    return %c0_i32, %arg0, %c0_i32_0 : i32, i32, i32
  }
  func.func @transform_1(%arg0: i32) -> (i32, i32, i32) {
    %c1_i32 = arith.constant 1 : i32
    %c0_i32 = arith.constant 0 : i32
    %c0_i32_0 = arith.constant 0 : i32
    return %c1_i32, %arg0, %c0_i32 : i32, i32, i32
  }
  func.func @transform_2(%arg0: i32) -> (i32, i32) {
    %c0_i32 = arith.constant 0 : i32
    %c0_i32_0 = arith.constant 0 : i32
    return %arg0, %c0_i32 : i32, i32
  }
  func.func @transform_3(%arg0: i32) -> (i32, i32) {
    %c0_i32 = arith.constant 0 : i32
    %c0_i32_0 = arith.constant 0 : i32
    return %arg0, %c0_i32 : i32, i32
  }
  func.func @transform_4(%arg0: i32) -> (i32, i32) {
    %c0_i32 = arith.constant 0 : i32
    %c0_i32_0 = arith.constant 0 : i32
    %c0_i32_1 = arith.constant 0 : i32
    return %c0_i32, %c0_i32_0 : i32, i32
  }
  func.func @transform_5(%arg0: i32) -> (i32, i32) {
    %c0_i32 = arith.constant 0 : i32
    %c0_i32_0 = arith.constant 0 : i32
    return %arg0, %c0_i32 : i32, i32
  }
  func.func @transform_6(%arg0: i32) -> (i32, i32) {
    %c0_i32 = arith.constant 0 : i32
    %c0_i32_0 = arith.constant 0 : i32
    %c0_i32_1 = arith.constant 0 : i32
    return %c0_i32, %c0_i32_0 : i32, i32
  }
  func.func @transform_7(%arg0: i32) -> (i32, i32) {
    %c0_i32 = arith.constant 0 : i32
    %c0_i32_0 = arith.constant 0 : i32
    %c0_i32_1 = arith.constant 0 : i32
    return %c0_i32, %c0_i32_0 : i32, i32
  }
  func.func @transform_8(%arg0: i32) -> (i32, i32) {
    %c0_i32 = arith.constant 0 : i32
    %c0_i32_0 = arith.constant 0 : i32
    %c0_i32_1 = arith.constant 0 : i32
    return %c0_i32, %c0_i32_0 : i32, i32
  }
  func.func @transform_9(%arg0: i32) -> (i32, i32) {
    %c0_i32 = arith.constant 0 : i32
    %c0_i32_0 = arith.constant 0 : i32
    %c0_i32_1 = arith.constant 0 : i32
    return %c0_i32, %c0_i32_0 : i32, i32
  }
  func.func @transform_10(%arg0: i32) -> (i32, i32) {
    %c0_i32 = arith.constant 0 : i32
    %c0_i32_0 = arith.constant 0 : i32
    %c0_i32_1 = arith.constant 0 : i32
    return %c0_i32, %c0_i32_0 : i32, i32
  }
}

</mosaic_0001>

<sc_bundles>
// kernel: kernel.11.cloned.1.call-start
scs
__scs_entry_jumppad:
0x0: {  	(pc) =	sbr.rel $0x88, $3  }
0x1: {  	(tag) =	ssettag $0x0;
	lr =	simm.s32 $0x1  }
0x2: {  	[smem:$0x3F96] =	sst lr;
	_ =	strace $0xD0000000  }
0x3: {  	_ = 	snop  }
0x4: {  	_ = 	snop  }
0x5: {  	_ = 	snop  }
0x6: {  	_ = 	snop  }
0x7: {  	_ = 	snop  }
__scs_overlays_trampoline_lowered:
0x8: {  	[smem:$0x3FA5] =	sst s0  }
0x9: {  	[smem:$0x3FA6] =	sst s1  }
0xa: {  	[smem:$0x3FA7] =	sst s2  }
0xb: {  	[smem:$0x3FA8] =	sst s3  }
0xc: {  	[smem:$0x3FA9] =	sst s4  }
0xd: {  	[smem:$0x3FAA] =	sst s5  }
0xe: {  	[smem:$0x3FAB] =	sst s6  }
0xf: {  	[smem:$0x3FAC] =	sst s7  }
0x10: {  	[smem:$0x3FAD] =	sst s8  }
0x11: {  	[smem:$0x3FAE] =	sst s9;
	s0 =	simm.s32 @!p0 $0x0  }
0x12: {  	s1 =	sld [smem:$0x3F94];
	s0 =	simm.s32 @p0 $0x1  }
0x13: {  	[smem:$0x3FAF] =	sst s0;
	s0 =	simm.s32 @!p1 $0x0  }
0x14: {  	s2 =	sld [smem:$0x3F93];
	s0 =	simm.s32 @p1 $0x1  }
0x15: {  	[smem:$0x3FB0] =	sst s0;
	s0 =	simm.s32 @!p2 $0x0  }
0x16: {  	s3 =	sld [smem:$0x3FDB];
	s0 =	simm.s32 @p2 $0x1  }
0x17: {  	s4 =	simm.s32 $0x1BF5;
	[smem:$0x3FB2] =	sst s0  }
0x18: {  	s0 =	sld [smem:$0x3F95];
	_ =	swait.ge [sflag:s4], $0x0  }
0x19: {  	s7 =	sld [smem:$0x3F96]  }
0x1a: {  	s8 =	sadd.s32 $0xFFFFE003, lr  }
0x1b: {  	s9 =	sadd.s32 $0xFFFFFEF7, lr;
	s5 =	simm.s32 $0xFFFFFFFF;
	p2 =	slt.u32 s8, $0xFFFFF086  }
0x1c: {  	p1 =	slt.u32 s9, $0xF7A;
	s5 =	simm.s32 @!p2 $0x0  }
0x1d: {  	s5 =	simm.s32 @p1 $0x1;
	p0 =	seq.s32 s7, s2  }
0x1e: {  	s7 =	smul.u32 @!p0 $0xF7A, s2;
	p2 =	seq.s32 @!p0 s5, $0x0  }
0x1f: {  	s9 =	smul.u32 $0xF7A, s1;
	s8 =	simm.s32 @!p0 $0x1BF5;
	p2 =	por !p2, p0  }
0x20: {  	[sflag:s8] =	ssyncset.s32 @!p0 $0xFFFFF086;
	s6 =	sadd.s32 @!p0 s3, s7;
	s7 =	simm.s32 @!p0 $0x108  }
0x21: {  	s3 =	sadd.s32 s3, s9;
	s6 =	sadd.s32 @!p0 $0x88, s6;
	s7 =	simm.s32 @p2 $0x1082  }
0x22: {  	[simem:s7], [sflag:s8] =	dma.local @!p0 [hbm:s6], $0xF7A  }
0x23: {  	s9 =	sor.u32 $0xD0000000, s2;
	s6 =	simm.s32 $0x108;
	_ =	swait.ge @!p0 [sflag:s8], $0x0  }
0x24: {  	s3 =	sadd.s32 $0x88, s3;
	s6 =	simm.s32 @!p1 $0x1082;
	[sflag:s4] =	ssyncset.s32 $0xFFFFF086  }
0x25: {  	[simem:s6], [sflag:s4] =	dma.local [hbm:s3], $0xF7A  }
0x26: {  	[smem:$0x3F96] =	sst s1;
	(tag) =	ssettag s2;
	_ =	strace s9  }
0x27: {  	s1 =	sld [smem:$0x3FA6]  }
0x28: {  	s2 =	sld [smem:$0x3FA7]  }
0x29: {  	s4 =	sld [smem:$0x3FA9]  }
0x2a: {  	p0 =	seq.s32 s5, $0x0;
	s5 =	sld [smem:$0x3FAA]  }
0x2b: {  	s6 =	sld [smem:$0x3FAB]  }
0x2c: {  	s7 =	sld [smem:$0x3FAC]  }
0x2d: {  	s3 =	simm.s32 $0x108;
	s8 =	sld [smem:$0x3FAD]  }
0x2e: {  	s3 =	simm.s32 @!p0 $0x1082;
	s9 =	sld [smem:$0x3FAE]  }
0x2f: {  	lr =	sadd.s32 s0, s3;
	s0 =	sld [smem:$0x3FA5]  }
0x30: {  	s3 =	sld [smem:$0x3FA8]  }
0x31: {  	[smem:$0x3FB1] =	sst s10  }
0x32: {  	s10 =	sld [smem:$0x3FAF];
	_ =	sdelay $0x3  }
0x33: {  	p0 =	seq.s32 s10, $0x1;
	s10 =	sld [smem:$0x3FB1];
	_ =	sdelay $0x3  }
0x34: {  	[smem:$0x3FB1] =	sst s10  }
0x35: {  	s10 =	sld [smem:$0x3FB0];
	_ =	sdelay $0x3  }
0x36: {  	p1 =	seq.s32 s10, $0x1;
	s10 =	sld [smem:$0x3FB1];
	_ =	sdelay $0x3  }
0x37: {  	[smem:$0x3FB1] =	sst s10  }
0x38: {  	s10 =	sld [smem:$0x3FB2]  }
0x39: {  	_ = 	snop;
	(pc) =	sbr.ind lr, $3  }
0x3a: {  	_ = 	snop  }
0x3b: {  	_ = 	snop  }
0x3c: {  	p2 =	seq.s32 s10, $0x1;
	s10 =	sld [smem:$0x3FB1]  }
0x3d: {  	_ =	shalt  }
0x3e: {  	_ =	shalt  }
0x3f: {  	_ =	shalt  }
0x40: {  	_ =	shalt  }
0x41: {  	_ =	shalt  }
0x42: {  	_ =	shalt  }
0x43: {  	_ =	shalt  }
0x44: {  	_ =	shalt  }
0x45: {  	_ =	shalt  }
0x46: {  	_ =	shalt  }
0x47: {  	_ =	shalt  }
0x48: {  	_ =	shalt  }
0x49: {  	_ =	shalt  }
0x4a: {  	_ =	shalt  }
0x4b: {  	_ =	shalt  }
0x4c: {  	_ =	shalt  }
0x4d: {  	_ =	shalt  }
0x4e: {  	_ =	shalt  }
0x4f: {  	_ =	shalt  }
0x50: {  	_ =	shalt  }
0x51: {  	_ =	shalt  }
0x52: {  	_ =	shalt  }
0x53: {  	_ =	shalt  }
0x54: {  	_ =	shalt  }
0x55: {  	_ =	shalt  }
0x56: {  	_ =	shalt  }
0x57: {  	_ =	shalt  }
0x58: {  	_ =	shalt  }
0x59: {  	_ =	shalt  }
0x5a: {  	_ =	shalt  }
0x5b: {  	_ =	shalt  }
0x5c: {  	_ =	shalt  }
0x5d: {  	_ =	shalt  }
0x5e: {  	_ =	shalt  }
0x5f: {  	_ =	shalt  }
0x60: {  	_ =	shalt  }
0x61: {  	_ =	shalt  }
0x62: {  	_ =	shalt  }
0x63: {  	_ =	shalt  }
0x64: {  	_ =	shalt  }
0x65: {  	_ =	shalt  }
0x66: {  	_ =	shalt  }
0x67: {  	_ =	shalt  }
0x68: {  	_ =	shalt  }
0x69: {  	_ =	shalt  }
0x6a: {  	_ =	shalt  }
0x6b: {  	_ =	shalt  }
0x6c: {  	_ =	shalt  }
0x6d: {  	_ =	shalt  }
0x6e: {  	_ =	shalt  }
0x6f: {  	_ =	shalt  }
0x70: {  	_ =	shalt  }
0x71: {  	_ =	shalt  }
0x72: {  	_ =	shalt  }
0x73: {  	_ =	shalt  }
0x74: {  	_ =	shalt  }
0x75: {  	_ =	shalt  }
0x76: {  	_ =	shalt  }
0x77: {  	_ =	shalt  }
0x78: {  	_ =	shalt  }
0x79: {  	_ =	shalt  }
0x7a: {  	_ =	shalt  }
0x7b: {  	_ =	shalt  }
0x7c: {  	_ =	shalt  }
0x7d: {  	_ =	shalt  }
0x7e: {  	_ =	shalt  }
0x7f: {  	_ =	shalt  }
0x80: {  	_ =	shalt  }
0x81: {  	_ =	shalt  }
0x82: {  	_ =	shalt  }
0x83: {  	_ =	shalt  }
0x84: {  	_ =	shalt  }
0x85: {  	_ =	shalt  }
0x86: {  	_ =	shalt  }
0x87: {  	_ =	shalt  }
.Lfunc_end0:
.L_simem_size_0:
called_computation.1_lowered:
.L_overlay_start_0:
0x88: {  	s2 =	sld [smem:$0x3FD9]  }
0x89: {  	s3 =	sld [smem:$0x3FFE];
	_ =	sdelay $0x1  }
0x8a: {  	s1 =	srdreg.scid  }
0x8b: {  	s0 =	sand.u32 $0x1, s1  }
0x8c: {  	s16 =	sshll.u32 s0, $0xA;
	s2 =	sadd.s32 s3, s2  }
0x8d: {  	s2 =	sadd.s32 s2, s16  }
0x8e: {  	[smem:$0x3FBD] =	sst s2  }
0x8f: {  	_ = 	snop  }
0x90: {  	(tm) =	ssettm $0x1  }
0x91: {  	s17 =	sld [smem:$0x3FFB];
	_ =	sdelay $0x3  }
0x92: {  	_ =	strace s17  }
0x93: {  	s2 =	sld [smem:$0x3FFC];
	_ =	sdelay $0x3  }
0x94: {  	_ =	strace s2  }
0x95: {  	s2 =	sld [smem:$0x3FFD];
	_ =	sdelay $0x3  }
0x96: {  	_ =	strace s2  }
0x97: {  	_ =	strace $0x8FFFFFFF  }
0x98: {  	s18 =	sld [smem:$0x3FDB];
	_ =	sdelay $0x1  }
0x99: {  	s19 =	simm.s32 $_scs_section_size  }
0x9a: {  	s4 =	simm.s32 $_size__tile_overlayer_lowered;
	s5 =	simm.s32 $_tile_overlayer_lowered  }
0x9b: {  	s22 =	simm.s32 $0x1BFF;
	s21 =	sshll.u32 s5, $0x1;
	s2 =	sadd.s32 s19, s18  }
0x9c: {  	s6 =	simm.s32 $0x0;
	s20 =	sshll.u32 s4, $0x1;
	s4 =	sadd.s32 s21, s2  }
0x9d: {  	[timem:s6], [sflag:s22] =	dma.local [hbm:s4], s20  }
0x9e: {  	_ =	swait.ge [sflag:s22], s20  }
0x9f: {  	s3 =	ssub.s32 $0x0, s20;
	[sflag:s22] =	ssyncset.done $0x0  }
0xa0: {  	[sflag:s22] =	ssyncadd.s32 s3;
	_ =	sdelay $0x1  }
0xa1: {  	s23 =	simm.s32 $0x1B8B  }
0xa2: {  	_ =	swait.ge [sflag:s23], $0x1  }
0xa3: {  	[sflag:s23] =	ssyncset.done $0x0  }
0xa4: {  	s25 =	simm.s32 $0x1B8E;
	s24 =	sld [smem:$0x3FFE];
	[sflag:s23] =	ssyncadd.s32 $0xFFFFFFFF  }
0xa5: {  	s26 =	simm.s32 $execute0_lowered;
	[smem:$0x3FD2] =	sst s25  }
0xa6: {  	s4 =	sshll.u32 s26, $0x1;
	_ =	strace $0x80000049;
	[dreg:$0x1] =	wrdreg $0xFFFFFFFF  }
0xa7: {  	s28 =	simm.s32 $_size_execute0_lowered;
	s2 =	sadd.s32 s2, s4;
	[dreg:$0x0] =	wrdreg $0x0  }
0xa8: {  	s4 =	sshll.u32 s28, $0x1;
	[dreg:$0x2] =	wrdreg s2  }
0xa9: {  	[dreg:$0x3] =	wrdreg s4  }
0xaa: {  	[dreg:$0x4] =	wrdreg $0xC0  }
0xab: {  	_ =	task [dreg:s6], $0x5FFFF  }
0xac: {  	[dreg:$0x1] =	wrdreg $0xFFFFFFFF  }
0xad: {  	[dreg:$0x0] =	wrdreg $0x60  }
0xae: {  	[dreg:$0x2] =	wrdreg s24  }
0xaf: {  	[dreg:$0x3] =	wrdreg $0x90000  }
0xb0: {  	[dreg:$0x4] =	wrdreg $0x9  }
0xb1: {  	_ =	task.clear_ibuf [dreg:s6], $0x5FFFF;
	_ =	strace $0x90000049  }
0xb2: {  	s29 =	simm.s32 $0x9;
	_ =	strace $0x8000004B  }
0xb3: {  	_ =	swait.ge [sflag:s29], $0x1  }
0xb4: {  	[sflag:s29] =	ssyncadd.s32 $0xFFFFFFFF  }
0xb5: {  	_ =	strace $0x9000004B  }
0xb6: {  	_ =	sfence  }
0xb7: {  	s30 =	sld [smem:$0x0];
	_ =	sdelay $0x2  }
0xb8: {  	s31 =	sshll.u32 s1, $0xD;
	s1 =	sshrl.u32 s1, $0x2  }
0xb9: {  	s3 =	sand.u32 $0x4000, s31;
	s1 =	sadd.s32 s1, s30  }
0xba: {  	s0 =	sor.u32 s3, s0;
	s1 =	sshll.u32 s1, $0x11  }
0xbb: {  	s0 =	sor.u32 s1, s0  }
0xbc: {  	s0 =	sadd.s32 $0x8F2B, s0  }
0xbd: {  	[sflag:s0] =	ssyncadd.remote.s32 $0x1  }
0xbe: {  	_ =	sfence.sel $0xFFFF  }
0xbf: {  	[dreg:$0x0] =	wrdreg $0xFFFFFFFF;
	(pc) =	sbr.abs _section_cstart, $3  }
0xc0: {  	[dreg:$0x1] =	wrdreg $0xFFFFFFFF  }
0xc1: {  	_ =	task.clear_ibuf [dreg:s6], $0x2FFFF;
	_ =	strace $0x9FFFFFFF  }
0xc2: {  	(tm) =	ssettm $0x7FFFFFFF  }
0xc3: {  	_ =	shalt  }
tec
execute0_lowered:
.L_overlay_start_1:
0x0: {  	(tag) =	ssettag $0x1  }
0x1: {  	s1 =	srdreg.scid;
	s6 =	rddreg [dreg:$0x0]  }
0x2: {  	s0 =	stileid.u32;
	s2 =	rddreg [dreg:$0x1]  }
0x3: {  	s3 =	simm.s32 $0x0;
	s14 =	simm.s32 $0x80;
	s4 =	smul.u32 $0x5000, s0  }
0x4: {  	s15 =	simm.s32 $0x5000;
	s16 =	simm.s32 $0x1;
	s9 =	smul.u32 $0x13C00, s0  }
0x5: {  	s5 =	sand.u32 $0x1, s1;
	s1 =	rddreg [dreg:$0x2];
	s11 =	smul.u32 $0x4F000, s0  }
0x6: {  	s17 =	simm.s32 $0x0;
	[smem:$0x7FF] =	sst s3;
	s7 =	smul.u32 $0x2800, s5  }
0x7: {  	s12 =	sshll.u32 s0, $0x6;
	s8 =	smul.u32 $0x13C000, s5;
	_ =	strace $0x8000004A  }
0x8: {  	s30 =	ssub.s32 $0x2, s5;
	s5 =	sadd.s32 $0xD200, s6;
	s12 =	sor.u32 $0x1C02, s12  }
0x9: {  	s10 =	sshrl.u32 s30, $0x1;
	s31 =	sshrl.u32 s11, $0x2;
	s11 =	simm.s32 $0x2800  }
0xa: {  	s7 =	sadd.s32 s7, s4;
	s4 =	sadd.s32 $0x21600, s6;
	s8 =	sadd.s32 s9, s8  }
0xb: {  	s9 =	ssub.s32 s30, s10;
	s13 =	sadd.s32 s31, s2;
	s10 =	simm.s32 $0x2  }
0xc: {  	s7 =	sshrl.u32 s7, $0x3;
	s8 =	sshrl.u32 s8, $0x3;
	s9 =	smax.u32 s9, $0x1  }
0xd: {  	s13 =	sshrl.u32 s13, $0x3;
	s7 =	sadd.s32 s7, s6;
	s8 =	sadd.s32 s8, s6  }
0xe: {  	s6 =	sadd.s32 $0x17600, s7;
	s7 =	sadd.s32 $0x3200, s7;
	s8 =	sadd.s32 $0x48800, s8  }
.LBB2_1:
0xf: {  	[tilespmem:s3], [sflag:$0x2] =	stream.linear.gather [hbm4b:s6+s3], $0x2800, $0x38;
	[tilespmem:$0x1CC00] =	vst v63  }
0x10: {  	_ =	swait.ge [sflag:s10], $0x2800  }
0x11: {  	[sflag:s10] =	ssyncset.done $0x0  }
0x12: {  	[sflag:s10] =	ssyncadd.s32 $0xFFFFD800  }
0x13: {  	[tilespmem:s11], [sflag:$0x2] =	stream.linear.gather [hbm4b:s7+s3], $0x2800, $0x38;
	[tilespmem:$0x1CC00] =	vst v63  }
0x14: {  	_ =	swait.ge [sflag:s10], $0x2800  }
0x15: {  	[sflag:s10] =	ssyncset.done $0x0  }
0x16: {  	[sflag:s10] =	ssyncadd.s32 $0xFFFFD800  }
0x17: {  	[spmem:s13], [sflag:s12] =	dma.local [hbm:s5], $0x2780  }
0x18: {  	_ =	swait.ge [sflag:s10], $0x2780  }
0x19: {  	[sflag:s10] =	ssyncset.done $0x0  }
0x1a: {  	[sflag:s10] =	ssyncadd.s32 $0xFFFFD880  }
0x1b: {  	s18 =	simm.s32 $0x0;
	[bflag:$0x0] =	sbarrier.arrive $0xFFFF  }
0x1c: {  	[tilespmem:s15], [sflag:$0x1] =	stream.indirect.gather [hbm4b:s4+s14], $0x80, s18, s14, $0xb8;
	[tilespmem:$0x1CC00] =	vst v63  }
0x1d: {  	_ =	swait.ge [sflag:s16], $0x4000  }
0x1e: {  	[sflag:s16] =	ssyncset.done $0x0  }
0x1f: {  	s31 =	simm.s32 $0x2800;
	[sflag:s16] =	ssyncadd.s32 $0xFFFFC000  }
0x20: {  	[spmem:s2] =	stream.indirect.scatter.add.f32 [tilespmem:s15], [sflag:$0x2], $0x80, s31, s14, $0xb8;
	[tilespmem:$0x1CC00] =	vst v63  }
0x21: {  	_ =	swait.ge [sflag:s10], $0x4000  }
0x22: {  	s19 =	simm.s32 $0x400;
	s18 =	simm.s32 $0x200;
	[sflag:s10] =	ssyncset.done $0x0  }
.LBB2_2:
0x23: {  	s20 =	sshra.s32 s18, $0x2  }
0x24: {  	[sflag:s10] =	ssyncadd.s32 $0xFFFFC000;
	s18 =	smov.u32 s19;
	s21 =	sadd.s32 $0x200, s19  }
0x25: {  	[tilespmem:s15], [sflag:$0x1] =	stream.indirect.gather [hbm4b:s4+s14], $0x80, s20, s14, $0xb8;
	[tilespmem:$0x1CC00] =	vst v63  }
0x26: {  	p0 =	sne.s32 s19, $0x9E00;
	_ =	swait.ge [sflag:s16], $0x4000  }
.Ltmp0:
0x27: {  	[sflag:s16] =	ssyncset.done $0x0;
	(pc) =	sbr.rel @p0 .LBB2_2-.Ltmp0, $4  }
0x28: {  	s19 =	sadd.s32 $0x2800, s20;
	[sflag:s16] =	ssyncadd.s32 $0xFFFFC000  }
0x29: {  	[spmem:s2] =	stream.indirect.scatter.add.f32 [tilespmem:s15], [sflag:$0x2], $0x80, s19, s14, $0xb8;
	[tilespmem:$0x1CC00] =	vst v63  }
0x2a: {  	_ =	swait.ge [sflag:s10], $0x4000  }
0x2b: {  	s19 =	smov.u32 s21;
	[sflag:s10] =	ssyncset.done $0x0  }
0x2c: {  	s18 =	sshra.s32 s18, $0x2;
	[sflag:s10] =	ssyncadd.s32 $0xFFFFC000  }
0x2d: {  	[tilespmem:s15], [sflag:$0x1] =	stream.indirect.gather [hbm4b:s4+s14], $0x80, s18, s14, $0xb8;
	[tilespmem:$0x1CC00] =	vst v63  }
0x2e: {  	_ =	swait.ge [sflag:s16], $0x4000  }
0x2f: {  	[sflag:s16] =	ssyncset.done $0x0  }
0x30: {  	s18 =	sadd.s32 $0x2800, s18;
	[sflag:s16] =	ssyncadd.s32 $0xFFFFC000  }
0x31: {  	[spmem:s2] =	stream.indirect.scatter.add.f32 [tilespmem:s15], [sflag:$0x2], $0x80, s18, s14, $0xb8;
	[tilespmem:$0x1CC00] =	vst v63  }
0x32: {  	_ =	swait.ge [sflag:s10], $0x4000  }
0x33: {  	s17 =	sadd.s32 $0x1, s17;
	[sflag:s10] =	ssyncset.done $0x0  }
0x34: {  	p0 =	sne.s32 s17, s9;
	[sflag:s10] =	ssyncadd.s32 $0xFFFFC000  }
.Ltmp1:
0x35: {  	[bflag:$0x0] =	sbarrier.arrive $0xFFFF;
	(pc) =	sbr.rel @p0 .LBB2_1-.Ltmp1, $4  }
0x36: {  	[hbm:s8], [sflag:s12] =	dma.local [spmem:s13], $0x2780  }
0x37: {  	_ =	swait.ge [sflag:s10], $0x2780  }
0x38: {  	[sflag:s10] =	ssyncset.done $0x0  }
0x39: {  	[sflag:s10] =	ssyncadd.s32 $0xFFFFD880  }
0x3a: {  	_ =	sfence.sel $0x180000  }
0x3b: {  	[bflag:$0x0] =	sbarrier.arrive $0xFFFF  }
0x3c: {  	p0 =	sne.s32 s0, $0x0;
	_ =	strace $0x9000004A  }
0x3d: {  	s0 =	sadd.s32 @!p0 $0x100000, s1;
	[bflag:$0x2] =	sbarrier.arrive $0xFFFF  }
0x3e: {  	[sflag:s0] =	ssyncadd.tile.s32 @!p0 $0x1;
	_ =	shalt  }
.Lfunc_end2:
_tile_overlayer_lowered:
.L_overlay_start_2:
0x3f: {  	(tag) =	ssettag $0x2  }
0x40: {  	s0 =	rddreg [dreg:$0x0];
	s2 =	stileid.u32  }
0x41: {  	s1 =	rddreg [dreg:$0x1];
	p0 =	sne.s32 s2, $0x0  }
0x42: {  	s3 =	rddreg [dreg:$0x2];
	[bflag:$0x3] =	sbarrier.arrive $0xFFFF;
	s2 =	simm.s32 @!p0 $0x1C02  }
0x43: {  	[timem:s3], [sflag:s2] =	dma.local @!p0 [hbm:s0], s1  }
0x44: {  	s0 =	simm.s32 @!p0 $0x2  }
0x45: {  	_ =	swait.ge @!p0 [sflag:s0], s1  }
0x46: {  	s1 =	ssub.s32 @!p0 $0x0, s1;
	[sflag:s0] =	ssyncset.done @!p0 $0x0  }
0x47: {  	[sflag:s0] =	ssyncadd.s32 @!p0 s1  }
0x48: {  	[bflag:$0x3] =	sbarrier.arrive $0xFFFF  }
0x49: {  	_ =	shalt  }

// kernel: kernel.14.cloned.1.call-start
scs
__scs_entry_jumppad:
0x0: {  	(pc) =	sbr.rel $0x88, $3  }
0x1: {  	(tag) =	ssettag $0x0;
	lr =	simm.s32 $0x1  }
0x2: {  	[smem:$0x3F96] =	sst lr;
	_ =	strace $0xD0000000  }
0x3: {  	_ = 	snop  }
0x4: {  	_ = 	snop  }
0x5: {  	_ = 	snop  }
0x6: {  	_ = 	snop  }
0x7: {  	_ = 	snop  }
__scs_overlays_trampoline_lowered:
0x8: {  	[smem:$0x3FA5] =	sst s0  }
0x9: {  	[smem:$0x3FA6] =	sst s1  }
0xa: {  	[smem:$0x3FA7] =	sst s2  }
0xb: {  	[smem:$0x3FA8] =	sst s3  }
0xc: {  	[smem:$0x3FA9] =	sst s4  }
0xd: {  	[smem:$0x3FAA] =	sst s5  }
0xe: {  	[smem:$0x3FAB] =	sst s6  }
0xf: {  	[smem:$0x3FAC] =	sst s7  }
0x10: {  	[smem:$0x3FAD] =	sst s8  }
0x11: {  	[smem:$0x3FAE] =	sst s9;
	s0 =	simm.s32 @!p0 $0x0  }
0x12: {  	s1 =	sld [smem:$0x3F94];
	s0 =	simm.s32 @p0 $0x1  }
0x13: {  	[smem:$0x3FAF] =	sst s0;
	s0 =	simm.s32 @!p1 $0x0  }
0x14: {  	s2 =	sld [smem:$0x3F93];
	s0 =	simm.s32 @p1 $0x1  }
0x15: {  	[smem:$0x3FB0] =	sst s0;
	s0 =	simm.s32 @!p2 $0x0  }
0x16: {  	s3 =	sld [smem:$0x3FDB];
	s0 =	simm.s32 @p2 $0x1  }
0x17: {  	s4 =	simm.s32 $0x1BF5;
	[smem:$0x3FB2] =	sst s0  }
0x18: {  	s0 =	sld [smem:$0x3F95];
	_ =	swait.ge [sflag:s4], $0x0  }
0x19: {  	s7 =	sld [smem:$0x3F96]  }
0x1a: {  	s8 =	sadd.s32 $0xFFFFE003, lr  }
0x1b: {  	s9 =	sadd.s32 $0xFFFFFEF7, lr;
	s5 =	simm.s32 $0xFFFFFFFF;
	p2 =	slt.u32 s8, $0xFFFFF086  }
0x1c: {  	p1 =	slt.u32 s9, $0xF7A;
	s5 =	simm.s32 @!p2 $0x0  }
0x1d: {  	s5 =	simm.s32 @p1 $0x1;
	p0 =	seq.s32 s7, s2  }
0x1e: {  	s7 =	smul.u32 @!p0 $0xF7A, s2;
	p2 =	seq.s32 @!p0 s5, $0x0  }
0x1f: {  	s9 =	smul.u32 $0xF7A, s1;
	s8 =	simm.s32 @!p0 $0x1BF5;
	p2 =	por !p2, p0  }
0x20: {  	[sflag:s8] =	ssyncset.s32 @!p0 $0xFFFFF086;
	s6 =	sadd.s32 @!p0 s3, s7;
	s7 =	simm.s32 @!p0 $0x108  }
0x21: {  	s3 =	sadd.s32 s3, s9;
	s6 =	sadd.s32 @!p0 $0x88, s6;
	s7 =	simm.s32 @p2 $0x1082  }
0x22: {  	[simem:s7], [sflag:s8] =	dma.local @!p0 [hbm:s6], $0xF7A  }
0x23: {  	s9 =	sor.u32 $0xD0000000, s2;
	s6 =	simm.s32 $0x108;
	_ =	swait.ge @!p0 [sflag:s8], $0x0  }
0x24: {  	s3 =	sadd.s32 $0x88, s3;
	s6 =	simm.s32 @!p1 $0x1082;
	[sflag:s4] =	ssyncset.s32 $0xFFFFF086  }
0x25: {  	[simem:s6], [sflag:s4] =	dma.local [hbm:s3], $0xF7A  }
0x26: {  	[smem:$0x3F96] =	sst s1;
	(tag) =	ssettag s2;
	_ =	strace s9  }
0x27: {  	s1 =	sld [smem:$0x3FA6]  }
0x28: {  	s2 =	sld [smem:$0x3FA7]  }
0x29: {  	s4 =	sld [smem:$0x3FA9]  }
0x2a: {  	p0 =	seq.s32 s5, $0x0;
	s5 =	sld [smem:$0x3FAA]  }
0x2b: {  	s6 =	sld [smem:$0x3FAB]  }
0x2c: {  	s7 =	sld [smem:$0x3FAC]  }
0x2d: {  	s3 =	simm.s32 $0x108;
	s8 =	sld [smem:$0x3FAD]  }
0x2e: {  	s3 =	simm.s32 @!p0 $0x1082;
	s9 =	sld [smem:$0x3FAE]  }
0x2f: {  	lr =	sadd.s32 s0, s3;
	s0 =	sld [smem:$0x3FA5]  }
0x30: {  	s3 =	sld [smem:$0x3FA8]  }
0x31: {  	[smem:$0x3FB1] =	sst s10  }
0x32: {  	s10 =	sld [smem:$0x3FAF];
	_ =	sdelay $0x3  }
0x33: {  	p0 =	seq.s32 s10, $0x1;
	s10 =	sld [smem:$0x3FB1];
	_ =	sdelay $0x3  }
0x34: {  	[smem:$0x3FB1] =	sst s10  }
0x35: {  	s10 =	sld [smem:$0x3FB0];
	_ =	sdelay $0x3  }
0x36: {  	p1 =	seq.s32 s10, $0x1;
	s10 =	sld [smem:$0x3FB1];
	_ =	sdelay $0x3  }
0x37: {  	[smem:$0x3FB1] =	sst s10  }
0x38: {  	s10 =	sld [smem:$0x3FB2]  }
0x39: {  	_ = 	snop;
	(pc) =	sbr.ind lr, $3  }
0x3a: {  	_ = 	snop  }
0x3b: {  	_ = 	snop  }
0x3c: {  	p2 =	seq.s32 s10, $0x1;
	s10 =	sld [smem:$0x3FB1]  }
0x3d: {  	_ =	shalt  }
0x3e: {  	_ =	shalt  }
0x3f: {  	_ =	shalt  }
0x40: {  	_ =	shalt  }
0x41: {  	_ =	shalt  }
0x42: {  	_ =	shalt  }
0x43: {  	_ =	shalt  }
0x44: {  	_ =	shalt  }
0x45: {  	_ =	shalt  }
0x46: {  	_ =	shalt  }
0x47: {  	_ =	shalt  }
0x48: {  	_ =	shalt  }
0x49: {  	_ =	shalt  }
0x4a: {  	_ =	shalt  }
0x4b: {  	_ =	shalt  }
0x4c: {  	_ =	shalt  }
0x4d: {  	_ =	shalt  }
0x4e: {  	_ =	shalt  }
0x4f: {  	_ =	shalt  }
0x50: {  	_ =	shalt  }
0x51: {  	_ =	shalt  }
0x52: {  	_ =	shalt  }
0x53: {  	_ =	shalt  }
0x54: {  	_ =	shalt  }
0x55: {  	_ =	shalt  }
0x56: {  	_ =	shalt  }
0x57: {  	_ =	shalt  }
0x58: {  	_ =	shalt  }
0x59: {  	_ =	shalt  }
0x5a: {  	_ =	shalt  }
0x5b: {  	_ =	shalt  }
0x5c: {  	_ =	shalt  }
0x5d: {  	_ =	shalt  }
0x5e: {  	_ =	shalt  }
0x5f: {  	_ =	shalt  }
0x60: {  	_ =	shalt  }
0x61: {  	_ =	shalt  }
0x62: {  	_ =	shalt  }
0x63: {  	_ =	shalt  }
0x64: {  	_ =	shalt  }
0x65: {  	_ =	shalt  }
0x66: {  	_ =	shalt  }
0x67: {  	_ =	shalt  }
0x68: {  	_ =	shalt  }
0x69: {  	_ =	shalt  }
0x6a: {  	_ =	shalt  }
0x6b: {  	_ =	shalt  }
0x6c: {  	_ =	shalt  }
0x6d: {  	_ =	shalt  }
0x6e: {  	_ =	shalt  }
0x6f: {  	_ =	shalt  }
0x70: {  	_ =	shalt  }
0x71: {  	_ =	shalt  }
0x72: {  	_ =	shalt  }
0x73: {  	_ =	shalt  }
0x74: {  	_ =	shalt  }
0x75: {  	_ =	shalt  }
0x76: {  	_ =	shalt  }
0x77: {  	_ =	shalt  }
0x78: {  	_ =	shalt  }
0x79: {  	_ =	shalt  }
0x7a: {  	_ =	shalt  }
0x7b: {  	_ =	shalt  }
0x7c: {  	_ =	shalt  }
0x7d: {  	_ =	shalt  }
0x7e: {  	_ =	shalt  }
0x7f: {  	_ =	shalt  }
0x80: {  	_ =	shalt  }
0x81: {  	_ =	shalt  }
0x82: {  	_ =	shalt  }
0x83: {  	_ =	shalt  }
0x84: {  	_ =	shalt  }
0x85: {  	_ =	shalt  }
0x86: {  	_ =	shalt  }
0x87: {  	_ =	shalt  }
.Lfunc_end0:
.L_simem_size_0:
called_computation.2_lowered:
.L_overlay_start_0:
0x88: {  	s2 =	sld [smem:$0x3FD9]  }
0x89: {  	s3 =	sld [smem:$0x3FFE];
	_ =	sdelay $0x1  }
0x8a: {  	s1 =	srdreg.scid  }
0x8b: {  	s0 =	sand.u32 $0x1, s1  }
0x8c: {  	s16 =	sshll.u32 s0, $0xA;
	s2 =	sadd.s32 s3, s2  }
0x8d: {  	s2 =	sadd.s32 s2, s16  }
0x8e: {  	[smem:$0x3FBD] =	sst s2  }
0x8f: {  	_ = 	snop  }
0x90: {  	(tm) =	ssettm $0x1  }
0x91: {  	s17 =	sld [smem:$0x3FFB];
	_ =	sdelay $0x3  }
0x92: {  	_ =	strace s17  }
0x93: {  	s2 =	sld [smem:$0x3FFC];
	_ =	sdelay $0x3  }
0x94: {  	_ =	strace s2  }
0x95: {  	s2 =	sld [smem:$0x3FFD];
	_ =	sdelay $0x3  }
0x96: {  	_ =	strace s2  }
0x97: {  	_ =	strace $0x8FFFFFFF  }
0x98: {  	s18 =	sld [smem:$0x3FDB];
	_ =	sdelay $0x1  }
0x99: {  	s19 =	simm.s32 $_scs_section_size  }
0x9a: {  	s4 =	simm.s32 $_size__tile_overlayer_lowered;
	s5 =	simm.s32 $_tile_overlayer_lowered  }
0x9b: {  	s22 =	simm.s32 $0x1BFF;
	s21 =	sshll.u32 s5, $0x1;
	s2 =	sadd.s32 s19, s18  }
0x9c: {  	s6 =	simm.s32 $0x0;
	s20 =	sshll.u32 s4, $0x1;
	s4 =	sadd.s32 s21, s2  }
0x9d: {  	[timem:s6], [sflag:s22] =	dma.local [hbm:s4], s20  }
0x9e: {  	_ =	swait.ge [sflag:s22], s20  }
0x9f: {  	s3 =	ssub.s32 $0x0, s20;
	[sflag:s22] =	ssyncset.done $0x0  }
0xa0: {  	[sflag:s22] =	ssyncadd.s32 s3;
	_ =	sdelay $0x1  }
0xa1: {  	s23 =	simm.s32 $0x1B8B  }
0xa2: {  	_ =	swait.ge [sflag:s23], $0x1  }
0xa3: {  	[sflag:s23] =	ssyncset.done $0x0  }
0xa4: {  	s25 =	simm.s32 $0x1B8E;
	s24 =	sld [smem:$0x3FFE];
	[sflag:s23] =	ssyncadd.s32 $0xFFFFFFFF  }
0xa5: {  	s26 =	simm.s32 $execute0_lowered;
	[smem:$0x3FD2] =	sst s25  }
0xa6: {  	s4 =	sshll.u32 s26, $0x1;
	_ =	strace $0x8000004C;
	[dreg:$0x1] =	wrdreg $0xFFFFFFFF  }
0xa7: {  	s28 =	simm.s32 $_size_execute0_lowered;
	s2 =	sadd.s32 s2, s4;
	[dreg:$0x0] =	wrdreg $0x0  }
0xa8: {  	s4 =	sshll.u32 s28, $0x1;
	[dreg:$0x2] =	wrdreg s2  }
0xa9: {  	[dreg:$0x3] =	wrdreg s4  }
0xaa: {  	[dreg:$0x4] =	wrdreg $0xC0  }
0xab: {  	_ =	task [dreg:s6], $0x5FFFF  }
0xac: {  	[dreg:$0x1] =	wrdreg $0xFFFFFFFF  }
0xad: {  	[dreg:$0x0] =	wrdreg $0x60  }
0xae: {  	[dreg:$0x2] =	wrdreg s24  }
0xaf: {  	[dreg:$0x3] =	wrdreg $0x90000  }
0xb0: {  	[dreg:$0x4] =	wrdreg $0x9  }
0xb1: {  	_ =	task.clear_ibuf [dreg:s6], $0x5FFFF;
	_ =	strace $0x9000004C  }
0xb2: {  	s29 =	simm.s32 $0x9;
	_ =	strace $0x8000004E  }
0xb3: {  	_ =	swait.ge [sflag:s29], $0x1  }
0xb4: {  	[sflag:s29] =	ssyncadd.s32 $0xFFFFFFFF  }
0xb5: {  	_ =	strace $0x9000004E  }
0xb6: {  	_ =	sfence  }
0xb7: {  	s30 =	sld [smem:$0x0];
	_ =	sdelay $0x2  }
0xb8: {  	s31 =	sshll.u32 s1, $0xD;
	s1 =	sshrl.u32 s1, $0x2  }
0xb9: {  	s3 =	sand.u32 $0x4000, s31;
	s1 =	sadd.s32 s1, s30  }
0xba: {  	s0 =	sor.u32 s3, s0;
	s1 =	sshll.u32 s1, $0x11  }
0xbb: {  	s0 =	sor.u32 s1, s0  }
0xbc: {  	s0 =	sadd.s32 $0x8F2B, s0  }
0xbd: {  	[sflag:s0] =	ssyncadd.remote.s32 $0x1  }
0xbe: {  	_ =	sfence.sel $0xFFFF  }
0xbf: {  	[dreg:$0x0] =	wrdreg $0xFFFFFFFF;
	(pc) =	sbr.abs _section_cstart, $3  }
0xc0: {  	[dreg:$0x1] =	wrdreg $0xFFFFFFFF  }
0xc1: {  	_ =	task.clear_ibuf [dreg:s6], $0x2FFFF;
	_ =	strace $0x9FFFFFFF  }
0xc2: {  	(tm) =	ssettm $0x7FFFFFFF  }
0xc3: {  	_ =	shalt  }
tec
execute0_lowered:
.L_overlay_start_1:
0x0: {  	(tag) =	ssettag $0x1  }
0x1: {  	s1 =	srdreg.scid;
	s6 =	rddreg [dreg:$0x0]  }
0x2: {  	s0 =	stileid.u32;
	s2 =	rddreg [dreg:$0x1]  }
0x3: {  	s3 =	simm.s32 $0x0;
	s14 =	simm.s32 $0x80;
	s4 =	smul.u32 $0x5000, s0  }
0x4: {  	s15 =	simm.s32 $0x5000;
	s16 =	simm.s32 $0x1;
	s9 =	smul.u32 $0x13C00, s0  }
0x5: {  	s5 =	sand.u32 $0x1, s1;
	s1 =	rddreg [dreg:$0x2];
	s11 =	smul.u32 $0x4F000, s0  }
0x6: {  	s17 =	simm.s32 $0x0;
	[smem:$0x7FF] =	sst s3;
	s7 =	smul.u32 $0x2800, s5  }
0x7: {  	s12 =	sshll.u32 s0, $0x6;
	s8 =	smul.u32 $0x13C000, s5;
	_ =	strace $0x8000004D  }
0x8: {  	s30 =	ssub.s32 $0x2, s5;
	s5 =	sadd.s32 $0xD200, s6;
	s12 =	sor.u32 $0x1C02, s12  }
0x9: {  	s10 =	sshrl.u32 s30, $0x1;
	s31 =	sshrl.u32 s11, $0x2;
	s11 =	simm.s32 $0x2800  }
0xa: {  	s7 =	sadd.s32 s7, s4;
	s4 =	sadd.s32 $0x21600, s6;
	s8 =	sadd.s32 s9, s8  }
0xb: {  	s9 =	ssub.s32 s30, s10;
	s13 =	sadd.s32 s31, s2;
	s10 =	simm.s32 $0x2  }
0xc: {  	s7 =	sshrl.u32 s7, $0x3;
	s8 =	sshrl.u32 s8, $0x3;
	s9 =	smax.u32 s9, $0x1  }
0xd: {  	s13 =	sshrl.u32 s13, $0x3;
	s7 =	sadd.s32 s7, s6;
	s8 =	sadd.s32 s8, s6  }
0xe: {  	s6 =	sadd.s32 $0x17600, s7;
	s7 =	sadd.s32 $0x3200, s7;
	s8 =	sadd.s32 $0x48800, s8  }
.LBB2_1:
0xf: {  	[tilespmem:s3], [sflag:$0x2] =	stream.linear.gather [hbm4b:s6+s3], $0x2800, $0x38;
	[tilespmem:$0x1CC00] =	vst v63  }
0x10: {  	_ =	swait.ge [sflag:s10], $0x2800  }
0x11: {  	[sflag:s10] =	ssyncset.done $0x0  }
0x12: {  	[sflag:s10] =	ssyncadd.s32 $0xFFFFD800  }
0x13: {  	[tilespmem:s11], [sflag:$0x2] =	stream.linear.gather [hbm4b:s7+s3], $0x2800, $0x38;
	[tilespmem:$0x1CC00] =	vst v63  }
0x14: {  	_ =	swait.ge [sflag:s10], $0x2800  }
0x15: {  	[sflag:s10] =	ssyncset.done $0x0  }
0x16: {  	[sflag:s10] =	ssyncadd.s32 $0xFFFFD800  }
0x17: {  	[spmem:s13], [sflag:s12] =	dma.local [hbm:s5], $0x2780  }
0x18: {  	_ =	swait.ge [sflag:s10], $0x2780  }
0x19: {  	[sflag:s10] =	ssyncset.done $0x0  }
0x1a: {  	[sflag:s10] =	ssyncadd.s32 $0xFFFFD880  }
0x1b: {  	s18 =	simm.s32 $0x0;
	[bflag:$0x0] =	sbarrier.arrive $0xFFFF  }
0x1c: {  	[tilespmem:s15], [sflag:$0x1] =	stream.indirect.gather [hbm4b:s4+s14], $0x80, s18, s14, $0xb8;
	[tilespmem:$0x1CC00] =	vst v63  }
0x1d: {  	_ =	swait.ge [sflag:s16], $0x4000  }
0x1e: {  	[sflag:s16] =	ssyncset.done $0x0  }
0x1f: {  	s31 =	simm.s32 $0x2800;
	[sflag:s16] =	ssyncadd.s32 $0xFFFFC000  }
0x20: {  	[spmem:s2] =	stream.indirect.scatter.add.f32 [tilespmem:s15], [sflag:$0x2], $0x80, s31, s14, $0xb8;
	[tilespmem:$0x1CC00] =	vst v63  }
0x21: {  	_ =	swait.ge [sflag:s10], $0x4000  }
0x22: {  	s19 =	simm.s32 $0x400;
	s18 =	simm.s32 $0x200;
	[sflag:s10] =	ssyncset.done $0x0  }
.LBB2_2:
0x23: {  	s20 =	sshra.s32 s18, $0x2  }
0x24: {  	[sflag:s10] =	ssyncadd.s32 $0xFFFFC000;
	s18 =	smov.u32 s19;
	s21 =	sadd.s32 $0x200, s19  }
0x25: {  	[tilespmem:s15], [sflag:$0x1] =	stream.indirect.gather [hbm4b:s4+s14], $0x80, s20, s14, $0xb8;
	[tilespmem:$0x1CC00] =	vst v63  }
0x26: {  	p0 =	sne.s32 s19, $0x9E00;
	_ =	swait.ge [sflag:s16], $0x4000  }
.Ltmp0:
0x27: {  	[sflag:s16] =	ssyncset.done $0x0;
	(pc) =	sbr.rel @p0 .LBB2_2-.Ltmp0, $4  }
0x28: {  	s19 =	sadd.s32 $0x2800, s20;
	[sflag:s16] =	ssyncadd.s32 $0xFFFFC000  }
0x29: {  	[spmem:s2] =	stream.indirect.scatter.add.f32 [tilespmem:s15], [sflag:$0x2], $0x80, s19, s14, $0xb8;
	[tilespmem:$0x1CC00] =	vst v63  }
0x2a: {  	_ =	swait.ge [sflag:s10], $0x4000  }
0x2b: {  	s19 =	smov.u32 s21;
	[sflag:s10] =	ssyncset.done $0x0  }
0x2c: {  	s18 =	sshra.s32 s18, $0x2;
	[sflag:s10] =	ssyncadd.s32 $0xFFFFC000  }
0x2d: {  	[tilespmem:s15], [sflag:$0x1] =	stream.indirect.gather [hbm4b:s4+s14], $0x80, s18, s14, $0xb8;
	[tilespmem:$0x1CC00] =	vst v63  }
0x2e: {  	_ =	swait.ge [sflag:s16], $0x4000  }
0x2f: {  	[sflag:s16] =	ssyncset.done $0x0  }
0x30: {  	s18 =	sadd.s32 $0x2800, s18;
	[sflag:s16] =	ssyncadd.s32 $0xFFFFC000  }
0x31: {  	[spmem:s2] =	stream.indirect.scatter.add.f32 [tilespmem:s15], [sflag:$0x2], $0x80, s18, s14, $0xb8;
	[tilespmem:$0x1CC00] =	vst v63  }
0x32: {  	_ =	swait.ge [sflag:s10], $0x4000  }
0x33: {  	s17 =	sadd.s32 $0x1, s17;
	[sflag:s10] =	ssyncset.done $0x0  }
0x34: {  	p0 =	sne.s32 s17, s9;
	[sflag:s10] =	ssyncadd.s32 $0xFFFFC000  }
.Ltmp1:
0x35: {  	[bflag:$0x0] =	sbarrier.arrive $0xFFFF;
	(pc) =	sbr.rel @p0 .LBB2_1-.Ltmp1, $4  }
0x36: {  	[hbm:s8], [sflag:s12] =	dma.local [spmem:s13], $0x2780  }
0x37: {  	_ =	swait.ge [sflag:s10], $0x2780  }
0x38: {  	[sflag:s10] =	ssyncset.done $0x0  }
0x39: {  	[sflag:s10] =	ssyncadd.s32 $0xFFFFD880  }
0x3a: {  	_ =	sfence.sel $0x180000  }
0x3b: {  	[bflag:$0x0] =	sbarrier.arrive $0xFFFF  }
0x3c: {  	p0 =	sne.s32 s0, $0x0;
	_ =	strace $0x9000004D  }
0x3d: {  	s0 =	sadd.s32 @!p0 $0x100000, s1;
	[bflag:$0x2] =	sbarrier.arrive $0xFFFF  }
0x3e: {  	[sflag:s0] =	ssyncadd.tile.s32 @!p0 $0x1;
	_ =	shalt  }
.Lfunc_end2:
_tile_overlayer_lowered:
.L_overlay_start_2:
0x3f: {  	(tag) =	ssettag $0x2  }
0x40: {  	s0 =	rddreg [dreg:$0x0];
	s2 =	stileid.u32  }
0x41: {  	s1 =	rddreg [dreg:$0x1];
	p0 =	sne.s32 s2, $0x0  }
0x42: {  	s3 =	rddreg [dreg:$0x2];
	[bflag:$0x3] =	sbarrier.arrive $0xFFFF;
	s2 =	simm.s32 @!p0 $0x1C02  }
0x43: {  	[timem:s3], [sflag:s2] =	dma.local @!p0 [hbm:s0], s1  }
0x44: {  	s0 =	simm.s32 @!p0 $0x2  }
0x45: {  	_ =	swait.ge @!p0 [sflag:s0], s1  }
0x46: {  	s1 =	ssub.s32 @!p0 $0x0, s1;
	[sflag:s0] =	ssyncset.done @!p0 $0x0  }
0x47: {  	[sflag:s0] =	ssyncadd.s32 @!p0 s1  }
0x48: {  	[bflag:$0x3] =	sbarrier.arrive $0xFFFF  }
0x49: {  	_ =	shalt  }

// kernel: kernel.8.cloned.1.call-start
scs
__scs_entry_jumppad:
0x0: {  	(pc) =	sbr.rel $0x88, $3  }
0x1: {  	(tag) =	ssettag $0x0;
	lr =	simm.s32 $0x1  }
0x2: {  	[smem:$0x3F96] =	sst lr;
	_ =	strace $0xD0000000  }
0x3: {  	_ = 	snop  }
0x4: {  	_ = 	snop  }
0x5: {  	_ = 	snop  }
0x6: {  	_ = 	snop  }
0x7: {  	_ = 	snop  }
__scs_overlays_trampoline_lowered:
0x8: {  	[smem:$0x3FA5] =	sst s0  }
0x9: {  	[smem:$0x3FA6] =	sst s1  }
0xa: {  	[smem:$0x3FA7] =	sst s2  }
0xb: {  	[smem:$0x3FA8] =	sst s3  }
0xc: {  	[smem:$0x3FA9] =	sst s4  }
0xd: {  	[smem:$0x3FAA] =	sst s5  }
0xe: {  	[smem:$0x3FAB] =	sst s6  }
0xf: {  	[smem:$0x3FAC] =	sst s7  }
0x10: {  	[smem:$0x3FAD] =	sst s8  }
0x11: {  	[smem:$0x3FAE] =	sst s9;
	s0 =	simm.s32 @!p0 $0x0  }
0x12: {  	s1 =	sld [smem:$0x3F94];
	s0 =	simm.s32 @p0 $0x1  }
0x13: {  	[smem:$0x3FAF] =	sst s0;
	s0 =	simm.s32 @!p1 $0x0  }
0x14: {  	s2 =	sld [smem:$0x3F93];
	s0 =	simm.s32 @p1 $0x1  }
0x15: {  	[smem:$0x3FB0] =	sst s0;
	s0 =	simm.s32 @!p2 $0x0  }
0x16: {  	s3 =	sld [smem:$0x3FDB];
	s0 =	simm.s32 @p2 $0x1  }
0x17: {  	s4 =	simm.s32 $0x1BF5;
	[smem:$0x3FB2] =	sst s0  }
0x18: {  	s0 =	sld [smem:$0x3F95];
	_ =	swait.ge [sflag:s4], $0x0  }
0x19: {  	s7 =	sld [smem:$0x3F96]  }
0x1a: {  	s8 =	sadd.s32 $0xFFFFE003, lr  }
0x1b: {  	s9 =	sadd.s32 $0xFFFFFEF7, lr;
	s5 =	simm.s32 $0xFFFFFFFF;
	p2 =	slt.u32 s8, $0xFFFFF086  }
0x1c: {  	p1 =	slt.u32 s9, $0xF7A;
	s5 =	simm.s32 @!p2 $0x0  }
0x1d: {  	s5 =	simm.s32 @p1 $0x1;
	p0 =	seq.s32 s7, s2  }
0x1e: {  	s7 =	smul.u32 @!p0 $0xF7A, s2;
	p2 =	seq.s32 @!p0 s5, $0x0  }
0x1f: {  	s9 =	smul.u32 $0xF7A, s1;
	s8 =	simm.s32 @!p0 $0x1BF5;
	p2 =	por !p2, p0  }
0x20: {  	[sflag:s8] =	ssyncset.s32 @!p0 $0xFFFFF086;
	s6 =	sadd.s32 @!p0 s3, s7;
	s7 =	simm.s32 @!p0 $0x108  }
0x21: {  	s3 =	sadd.s32 s3, s9;
	s6 =	sadd.s32 @!p0 $0x88, s6;
	s7 =	simm.s32 @p2 $0x1082  }
0x22: {  	[simem:s7], [sflag:s8] =	dma.local @!p0 [hbm:s6], $0xF7A  }
0x23: {  	s9 =	sor.u32 $0xD0000000, s2;
	s6 =	simm.s32 $0x108;
	_ =	swait.ge @!p0 [sflag:s8], $0x0  }
0x24: {  	s3 =	sadd.s32 $0x88, s3;
	s6 =	simm.s32 @!p1 $0x1082;
	[sflag:s4] =	ssyncset.s32 $0xFFFFF086  }
0x25: {  	[simem:s6], [sflag:s4] =	dma.local [hbm:s3], $0xF7A  }
0x26: {  	[smem:$0x3F96] =	sst s1;
	(tag) =	ssettag s2;
	_ =	strace s9  }
0x27: {  	s1 =	sld [smem:$0x3FA6]  }
0x28: {  	s2 =	sld [smem:$0x3FA7]  }
0x29: {  	s4 =	sld [smem:$0x3FA9]  }
0x2a: {  	p0 =	seq.s32 s5, $0x0;
	s5 =	sld [smem:$0x3FAA]  }
0x2b: {  	s6 =	sld [smem:$0x3FAB]  }
0x2c: {  	s7 =	sld [smem:$0x3FAC]  }
0x2d: {  	s3 =	simm.s32 $0x108;
	s8 =	sld [smem:$0x3FAD]  }
0x2e: {  	s3 =	simm.s32 @!p0 $0x1082;
	s9 =	sld [smem:$0x3FAE]  }
0x2f: {  	lr =	sadd.s32 s0, s3;
	s0 =	sld [smem:$0x3FA5]  }
0x30: {  	s3 =	sld [smem:$0x3FA8]  }
0x31: {  	[smem:$0x3FB1] =	sst s10  }
0x32: {  	s10 =	sld [smem:$0x3FAF];
	_ =	sdelay $0x3  }
0x33: {  	p0 =	seq.s32 s10, $0x1;
	s10 =	sld [smem:$0x3FB1];
	_ =	sdelay $0x3  }
0x34: {  	[smem:$0x3FB1] =	sst s10  }
0x35: {  	s10 =	sld [smem:$0x3FB0];
	_ =	sdelay $0x3  }
0x36: {  	p1 =	seq.s32 s10, $0x1;
	s10 =	sld [smem:$0x3FB1];
	_ =	sdelay $0x3  }
0x37: {  	[smem:$0x3FB1] =	sst s10  }
0x38: {  	s10 =	sld [smem:$0x3FB2]  }
0x39: {  	_ = 	snop;
	(pc) =	sbr.ind lr, $3  }
0x3a: {  	_ = 	snop  }
0x3b: {  	_ = 	snop  }
0x3c: {  	p2 =	seq.s32 s10, $0x1;
	s10 =	sld [smem:$0x3FB1]  }
0x3d: {  	_ =	shalt  }
0x3e: {  	_ =	shalt  }
0x3f: {  	_ =	shalt  }
0x40: {  	_ =	shalt  }
0x41: {  	_ =	shalt  }
0x42: {  	_ =	shalt  }
0x43: {  	_ =	shalt  }
0x44: {  	_ =	shalt  }
0x45: {  	_ =	shalt  }
0x46: {  	_ =	shalt  }
0x47: {  	_ =	shalt  }
0x48: {  	_ =	shalt  }
0x49: {  	_ =	shalt  }
0x4a: {  	_ =	shalt  }
0x4b: {  	_ =	shalt  }
0x4c: {  	_ =	shalt  }
0x4d: {  	_ =	shalt  }
0x4e: {  	_ =	shalt  }
0x4f: {  	_ =	shalt  }
0x50: {  	_ =	shalt  }
0x51: {  	_ =	shalt  }
0x52: {  	_ =	shalt  }
0x53: {  	_ =	shalt  }
0x54: {  	_ =	shalt  }
0x55: {  	_ =	shalt  }
0x56: {  	_ =	shalt  }
0x57: {  	_ =	shalt  }
0x58: {  	_ =	shalt  }
0x59: {  	_ =	shalt  }
0x5a: {  	_ =	shalt  }
0x5b: {  	_ =	shalt  }
0x5c: {  	_ =	shalt  }
0x5d: {  	_ =	shalt  }
0x5e: {  	_ =	shalt  }
0x5f: {  	_ =	shalt  }
0x60: {  	_ =	shalt  }
0x61: {  	_ =	shalt  }
0x62: {  	_ =	shalt  }
0x63: {  	_ =	shalt  }
0x64: {  	_ =	shalt  }
0x65: {  	_ =	shalt  }
0x66: {  	_ =	shalt  }
0x67: {  	_ =	shalt  }
0x68: {  	_ =	shalt  }
0x69: {  	_ =	shalt  }
0x6a: {  	_ =	shalt  }
0x6b: {  	_ =	shalt  }
0x6c: {  	_ =	shalt  }
0x6d: {  	_ =	shalt  }
0x6e: {  	_ =	shalt  }
0x6f: {  	_ =	shalt  }
0x70: {  	_ =	shalt  }
0x71: {  	_ =	shalt  }
0x72: {  	_ =	shalt  }
0x73: {  	_ =	shalt  }
0x74: {  	_ =	shalt  }
0x75: {  	_ =	shalt  }
0x76: {  	_ =	shalt  }
0x77: {  	_ =	shalt  }
0x78: {  	_ =	shalt  }
0x79: {  	_ =	shalt  }
0x7a: {  	_ =	shalt  }
0x7b: {  	_ =	shalt  }
0x7c: {  	_ =	shalt  }
0x7d: {  	_ =	shalt  }
0x7e: {  	_ =	shalt  }
0x7f: {  	_ =	shalt  }
0x80: {  	_ =	shalt  }
0x81: {  	_ =	shalt  }
0x82: {  	_ =	shalt  }
0x83: {  	_ =	shalt  }
0x84: {  	_ =	shalt  }
0x85: {  	_ =	shalt  }
0x86: {  	_ =	shalt  }
0x87: {  	_ =	shalt  }
.Lfunc_end0:
.L_simem_size_0:
called_computation_lowered:
.L_overlay_start_0:
0x88: {  	s2 =	sld [smem:$0x3FD9]  }
0x89: {  	s3 =	sld [smem:$0x3FFE];
	_ =	sdelay $0x1  }
0x8a: {  	s1 =	srdreg.scid  }
0x8b: {  	s0 =	sand.u32 $0x1, s1  }
0x8c: {  	s16 =	sshll.u32 s0, $0xA;
	s2 =	sadd.s32 s3, s2  }
0x8d: {  	s2 =	sadd.s32 s2, s16  }
0x8e: {  	[smem:$0x3FBD] =	sst s2  }
0x8f: {  	_ = 	snop  }
0x90: {  	(tm) =	ssettm $0x1  }
0x91: {  	s17 =	sld [smem:$0x3FFB];
	_ =	sdelay $0x3  }
0x92: {  	_ =	strace s17  }
0x93: {  	s2 =	sld [smem:$0x3FFC];
	_ =	sdelay $0x3  }
0x94: {  	_ =	strace s2  }
0x95: {  	s2 =	sld [smem:$0x3FFD];
	_ =	sdelay $0x3  }
0x96: {  	_ =	strace s2  }
0x97: {  	_ =	strace $0x8FFFFFFF  }
0x98: {  	s18 =	sld [smem:$0x3FDB];
	_ =	sdelay $0x1  }
0x99: {  	s19 =	simm.s32 $_scs_section_size  }
0x9a: {  	s4 =	simm.s32 $_size__tile_overlayer_lowered;
	s5 =	simm.s32 $_tile_overlayer_lowered  }
0x9b: {  	s22 =	simm.s32 $0x1BFF;
	s21 =	sshll.u32 s5, $0x1;
	s2 =	sadd.s32 s19, s18  }
0x9c: {  	s6 =	simm.s32 $0x0;
	s20 =	sshll.u32 s4, $0x1;
	s4 =	sadd.s32 s21, s2  }
0x9d: {  	[timem:s6], [sflag:s22] =	dma.local [hbm:s4], s20  }
0x9e: {  	_ =	swait.ge [sflag:s22], s20  }
0x9f: {  	s3 =	ssub.s32 $0x0, s20;
	[sflag:s22] =	ssyncset.done $0x0  }
0xa0: {  	[sflag:s22] =	ssyncadd.s32 s3;
	_ =	sdelay $0x1  }
0xa1: {  	s23 =	simm.s32 $0x1B8B  }
0xa2: {  	_ =	swait.ge [sflag:s23], $0x1  }
0xa3: {  	[sflag:s23] =	ssyncset.done $0x0  }
0xa4: {  	s25 =	simm.s32 $0x1B8E;
	s24 =	sld [smem:$0x3FFE];
	[sflag:s23] =	ssyncadd.s32 $0xFFFFFFFF  }
0xa5: {  	s26 =	simm.s32 $execute0_lowered;
	[smem:$0x3FD2] =	sst s25  }
0xa6: {  	s4 =	sshll.u32 s26, $0x1;
	_ =	strace $0x80000046;
	[dreg:$0x1] =	wrdreg $0xFFFFFFFF  }
0xa7: {  	s28 =	simm.s32 $_size_execute0_lowered;
	s2 =	sadd.s32 s2, s4;
	[dreg:$0x0] =	wrdreg $0x0  }
0xa8: {  	s4 =	sshll.u32 s28, $0x1;
	[dreg:$0x2] =	wrdreg s2  }
0xa9: {  	[dreg:$0x3] =	wrdreg s4  }
0xaa: {  	[dreg:$0x4] =	wrdreg $0xC0  }
0xab: {  	_ =	task [dreg:s6], $0x5FFFF  }
0xac: {  	[dreg:$0x1] =	wrdreg $0xFFFFFFFF  }
0xad: {  	[dreg:$0x0] =	wrdreg $0x60  }
0xae: {  	[dreg:$0x2] =	wrdreg s24  }
0xaf: {  	[dreg:$0x3] =	wrdreg $0x9  }
0xb0: {  	_ =	task.clear_ibuf [dreg:s6], $0x4FFFF;
	_ =	strace $0x90000046  }
0xb1: {  	s29 =	simm.s32 $0x9;
	_ =	strace $0x80000048  }
0xb2: {  	_ =	swait.ge [sflag:s29], $0x1  }
0xb3: {  	[sflag:s29] =	ssyncadd.s32 $0xFFFFFFFF  }
0xb4: {  	_ =	strace $0x90000048  }
0xb5: {  	_ =	sfence  }
0xb6: {  	s30 =	sld [smem:$0x0];
	_ =	sdelay $0x2  }
0xb7: {  	s31 =	sshll.u32 s1, $0xD;
	s1 =	sshrl.u32 s1, $0x2  }
0xb8: {  	s3 =	sand.u32 $0x4000, s31;
	s1 =	sadd.s32 s1, s30  }
0xb9: {  	s0 =	sor.u32 s3, s0;
	s1 =	sshll.u32 s1, $0x11  }
0xba: {  	s0 =	sor.u32 s1, s0  }
0xbb: {  	s0 =	sadd.s32 $0x8F2B, s0  }
0xbc: {  	[sflag:s0] =	ssyncadd.remote.s32 $0x1  }
0xbd: {  	_ =	sfence.sel $0xFFFF  }
0xbe: {  	[dreg:$0x0] =	wrdreg $0xFFFFFFFF;
	(pc) =	sbr.abs _section_cstart, $3  }
0xbf: {  	[dreg:$0x1] =	wrdreg $0xFFFFFFFF  }
0xc0: {  	_ =	task.clear_ibuf [dreg:s6], $0x2FFFF;
	_ =	strace $0x9FFFFFFF  }
0xc1: {  	(tm) =	ssettm $0x7FFFFFFF  }
tec
execute0_lowered:
.L_overlay_start_1:
0x0: {  	(tag) =	ssettag $0x1  }
0x1: {  	s1 =	srdreg.scid  }
0x2: {  	s0 =	stileid.u32;
	s4 =	rddreg [dreg:$0x0];
	s8 =	simm.s32 $0x2800  }
0x3: {  	s9 =	simm.s32 $0x80;
	s10 =	simm.s32 $0x400;
	s11 =	simm.s32 $0x0  }
0x4: {  	s3 =	sand.u32 $0x1, s1;
	s2 =	sshll.u32 s0, $0x1;
	s1 =	rddreg [dreg:$0x1]  }
0x5: {  	s6 =	sshrl.u32 s0, $0x2;
	s5 =	sor.u32 s3, s2;
	s2 =	simm.s32 $0x0  }
0x6: {  	s6 =	smul.u32 $0x13C00, s6;
	s30 =	ssub.s32 $0x2, s3;
	s7 =	sshll.u32 s5, $0x7  }
0x7: {  	s3 =	sadd.s32 $0xD200, s4;
	s5 =	smul.u32 $0x500, s5;
	s7 =	sand.u32 $0x380, s7  }
0x8: {  	[smem:$0x7FF] =	sst s2;
	s31 =	sshrl.u32 s30, $0x1;
	s6 =	sor.u32 s6, s7  }
0x9: {  	_ =	strace $0x80000047;
	s5 =	sadd.s32 s5, s4;
	s6 =	sshrl.u32 s6, $0x3  }
0xa: {  	s7 =	ssub.s32 s30, s31;
	s6 =	sadd.s32 s6, s4;
	s4 =	sadd.s32 $0x3200, s5  }
0xb: {  	v0 =	vimm.f32 $1.000000000e+00;
	s5 =	sadd.s32 $0xD800, s6;
	s6 =	smax.u32 s7, $0x1;
	s7 =	simm.s32 $0x1  }
.LBB2_1:
0xc: {  	[tilespmem:s2], [sflag:$0x1] =	stream.linear.gather [hbm4b:s4+s2], $0x2800, $0x38;
	[tilespmem:$0x4F80] =	vst v63  }
0xd: {  	_ =	swait.ge [sflag:s7], $0x2800  }
0xe: {  	[sflag:s7] =	ssyncset.done $0x0  }
0xf: {  	[sflag:s7] =	ssyncadd.s32 $0xFFFFD800  }
0x10: {  	[tilespmem:s8], [sflag:$0x1] =	stream.linear.gather [hbm4b:s3+s2], $0x2780, $0x38;
	[tilespmem:$0x4F80] =	vst v63  }
0x11: {  	_ =	swait.ge [sflag:s7], $0x2780  }
0x12: {  	[sflag:s7] =	ssyncset.done $0x0  }
0x13: {  	s13 =	simm.s32 $0x0;
	s12 =	simm.s32 $0x40;
	[sflag:s7] =	ssyncadd.s32 $0xFFFFD880  }
.LBB2_2:
0x14: {  	p0 =	sne.s32 s12, $0x9FC0;
	v1 =	vld [tilespmem:s13+$0x0];
	_ =	sdelay $0x3  }
.Ltmp0:
0x15: {  	(pc) =	sbr.rel @p0 .LBB2_2-.Ltmp0, $2  }
0x16: {  	_ =	sdelay $0x2  }
0x17: {  	s13 =	sshra.s32 s12, $0x2;
	s12 =	sadd.s32 $0x40, s12;
	[tilespmem:v1+s8+$0x0] =	vst.idx.add.f32.msk $0xffff, v0  }
0x18: {  	v1 =	vld [tilespmem:s13+$0x0];
	_ =	sdelay $0x5  }
0x19: {  	s11 =	sadd.s32 $0x1, s11  }
0x1a: {  	p0 =	sne.s32 s11, s6  }
.Ltmp1:
0x1b: {  	[tilespmem:v1+s8+$0x0] =	vst.idx.add.f32.msk $0xffff, v0;
	(pc) =	sbr.rel @p0 .LBB2_1-.Ltmp1, $4  }
0x1c: {  	[hbm4b:s5+s9] =	stream.strided.scatter [tilespmem:s8], [sflag:$0x1], $0x2780, s10, s9, $0x38;
	[tilespmem:$0x4F80] =	vst v63  }
0x1d: {  	_ =	swait.ge [sflag:s7], $0x2780  }
0x1e: {  	[sflag:s7] =	ssyncset.done $0x0  }
0x1f: {  	[sflag:s7] =	ssyncadd.s32 $0xFFFFD880  }
0x20: {  	_ =	sfence.sel $0x180000  }
0x21: {  	[bflag:$0x0] =	sbarrier.arrive $0xFFFF  }
0x22: {  	p0 =	sne.s32 s0, $0x0;
	_ =	strace $0x90000047  }
0x23: {  	s0 =	sadd.s32 @!p0 $0x100000, s1;
	[bflag:$0x2] =	sbarrier.arrive $0xFFFF  }
0x24: {  	[sflag:s0] =	ssyncadd.tile.s32 @!p0 $0x1;
	_ =	shalt  }
.Lfunc_end2:
_tile_overlayer_lowered:
.L_overlay_start_2:
0x25: {  	(tag) =	ssettag $0x2  }
0x26: {  	s0 =	rddreg [dreg:$0x0];
	s2 =	stileid.u32  }
0x27: {  	s1 =	rddreg [dreg:$0x1];
	p0 =	sne.s32 s2, $0x0  }
0x28: {  	s3 =	rddreg [dreg:$0x2];
	[bflag:$0x3] =	sbarrier.arrive $0xFFFF;
	s2 =	simm.s32 @!p0 $0x1C01  }
0x29: {  	[timem:s3], [sflag:s2] =	dma.local @!p0 [hbm:s0], s1  }
0x2a: {  	s0 =	simm.s32 @!p0 $0x1  }
0x2b: {  	_ =	swait.ge @!p0 [sflag:s0], s1  }
0x2c: {  	s1 =	ssub.s32 @!p0 $0x0, s1;
	[sflag:s0] =	ssyncset.done @!p0 $0x0  }
0x2d: {  	[sflag:s0] =	ssyncadd.s32 @!p0 s1  }
0x2e: {  	[bflag:$0x3] =	sbarrier.arrive $0xFFFF  }
0x2f: {  	_ =	shalt  }

</sc_bundles>
